<compile_context>
chip_gen: v7x
topology: tpu7x:2x2x1
jax: 0.10.2.dev20260603
libtpu: 0.0.44.dev20260713+nightly
codegen_flags: <defaults>
</compile_context>

<pallas_src>
import functools

import jax
import jax.numpy as jnp
from jax import lax
from jax.experimental import pallas as pl
from jax.experimental.pallas import tpu as pltpu
from jax.experimental.pallas import tpu_sc as plsc

BATCH = 16384
EMBED = 32
NC = 2
NS = 16
NW = NC * NS
BPW = BATCH // NW
RB = EMBED // 8
CPW = BPW // 128
NB = 4
NBAT = BPW // NB
L = 16
IDXPAD = BPW + L


@jax.jit
def _embed_lookup(uid_idx, iid_idx, utab_t, itab_t):
  mesh = plsc.VectorSubcoreMesh(core_axis_name="c", subcore_axis_name="s",
                                num_cores=NC, num_subcores=NS)

  @functools.partial(
      pl.kernel,
      out_type=(
          jax.ShapeDtypeStruct((RB, BATCH // 128, 8, 128), jnp.float32),
          jax.ShapeDtypeStruct((RB, BATCH // 128, 8, 128), jnp.float32),
      ),
      mesh=mesh,
      compiler_params=pltpu.CompilerParams(needs_layout_passes=False),
      scratch_types=[
          pltpu.VMEM((IDXPAD,), jnp.int32),
          pltpu.VMEM((IDXPAD,), jnp.int32),
          pltpu.VMEM((NB, EMBED, 128), jnp.float32),
          pltpu.VMEM((NB, EMBED, 128), jnp.float32),
          pltpu.VMEM((RB, CPW, 8, 128), jnp.float32),
          pltpu.VMEM((RB, CPW, 8, 128), jnp.float32),
      ] + [pltpu.SemaphoreType.DMA] * (2 * NB),
  )
  def body(uidx_hbm, iidx_hbm, utab_hbm, itab_hbm, uout_hbm, iout_hbm,
           uidx_s, iidx_s, ublk_v, iblk_v, uout_v, iout_v, *sems):
    usems = sems[:NB]
    isems = sems[NB:]
    w = lax.axis_index("s") * NC + lax.axis_index("c")
    base = w * BPW
    pltpu.sync_copy(uidx_hbm.at[pl.ds(base, BPW)],
                    uidx_s.at[pl.ds(0, BPW)])
    pltpu.sync_copy(iidx_hbm.at[pl.ds(base, BPW)],
                    iidx_s.at[pl.ds(0, BPW)])

    dvec0 = lax.iota(jnp.int32, L)
    dvec1 = dvec0 + L
    rvec0 = lax.bitwise_and(dvec0, 7)
    rvec1 = lax.bitwise_and(dvec1, 7)
    Rvec0 = lax.shift_right_logical(dvec0, 3)
    Rvec1 = lax.shift_right_logical(dvec1, 3)

    def issue(tab_hbm, blk_v, semv, b, idx):
      blk = lax.shift_right_logical(idx, 7)
      off = pl.multiple_of(blk * 128, 128)
      return pltpu.async_copy(tab_hbm.at[:, pl.ds(off, 128)], blk_v.at[b],
                              semv[b])

    uvec0 = uidx_s[pl.ds(0, L)]
    ivec0 = iidx_s[pl.ds(0, L)]
    for b in range(NB):
      issue(utab_hbm, ublk_v, usems, b, uvec0[b])
      issue(itab_hbm, iblk_v, isems, b, ivec0[b])

    def phase(tab_hbm, idx_s, blk_v, semv, out_v, t):
      idxv = idx_s[pl.ds(t * NB, L)]
      for b in range(NB):
        k = t * NB + b
        pltpu.make_async_copy(
            tab_hbm.at[:, pl.ds(0, 128)], blk_v.at[b], semv[b]).wait()
        idx = idxv[b]
        col = lax.bitwise_and(idx, 127)
        colv = jnp.full((L,), col, jnp.int32)
        kc = jnp.full((L,), lax.shift_right_logical(k, 7), jnp.int32)
        km = jnp.full((L,), lax.bitwise_and(k, 127), jnp.int32)
        v0 = plsc.load_gather(blk_v.at[b], [dvec0, colv])
        v1 = plsc.load_gather(blk_v.at[b], [dvec1, colv])
        plsc.store_scatter(out_v, [Rvec0, kc, rvec0, km], v0)
        plsc.store_scatter(out_v, [Rvec1, kc, rvec1, km], v1)

        @pl.when(t < NBAT - 1)
        def _():
          issue(tab_hbm, blk_v, semv, b, idxv[NB + b])

    def grp(t, _):
      phase(utab_hbm, uidx_s, ublk_v, usems, uout_v, t)
      phase(itab_hbm, iidx_s, iblk_v, isems, iout_v, t)
      return _

    lax.fori_loop(0, NBAT, grp, None)

    pltpu.sync_copy(uout_v, uout_hbm.at[:, pl.ds(w * CPW, CPW)])
    pltpu.sync_copy(iout_v, iout_hbm.at[:, pl.ds(w * CPW, CPW)])

  uout, iout = body(uid_idx, iid_idx, utab_t, itab_t)
  uout = uout.transpose(1, 3, 0, 2).reshape(BATCH, EMBED)
  iout = iout.transpose(1, 3, 0, 2).reshape(BATCH, EMBED)
  return uout, iout


def kernel(uid_input, iid_input, uid_table, iid_table):
  uid_idx = uid_input.astype(jnp.int32)
  iid_idx = iid_input.astype(jnp.int32)
  return _embed_lookup(uid_idx, iid_idx, uid_table.T, iid_table.T)

# --- scband reference (transcript-rebuilt; emitter-appended) ---
"""Pipeline reference for scband-rec-embeddings-6193342841419 (READ-ONLY COPY).

The authoritative reference and input builder live on the scoring server;
editing this copy changes nothing except your own understanding.
"""

import jax, jax.numpy as jnp
import numpy as np

NUM_USERS = 1000000
NUM_ITEMS = 1000000
EMBED_DIM = 32
BATCH = 16384

def setup_inputs(seed: int = 0) -> dict:
    key = jax.random.key(seed)
    k1, k2, k3, k4 = jax.random.split(key, 4)
    uid_input = jax.random.randint(k1, (BATCH,), 0, NUM_USERS, dtype=jnp.int64 if jax.config.jax_enable_x64 else jnp.int32)
    iid_input = jax.random.randint(k2, (BATCH,), 0, NUM_ITEMS, dtype=jnp.int64 if jax.config.jax_enable_x64 else jnp.int32)
    # Learned embedding tables (keras Embedding default init is uniform(-0.05, 0.05))
    uid_table = jax.random.uniform(k3, (NUM_USERS, EMBED_DIM), dtype=jnp.float32, minval=-0.05, maxval=0.05)
    iid_table = jax.random.uniform(k4, (NUM_ITEMS, EMBED_DIM), dtype=jnp.float32, minval=-0.05, maxval=0.05)
    return {"uid_input": uid_input, "iid_input": iid_input, "uid_table": uid_table, "iid_table": iid_table}

def reference(uid_input, iid_input, uid_table, iid_table):
    # Faithful translation of RecEmbeddings.call: two independent embedding lookups
    uid_features = jnp.take(uid_table, uid_input, axis=0)
    iid_features = jnp.take(iid_table, iid_input, axis=0)
    return (uid_features, iid_features)

if __name__ == "__main__":
    import jax
    _d = setup_inputs()
    print(jax.jit(kernel)(*tuple(_d.values())))

</pallas_src>

<mosaic_0001>
#map = affine_map<(d0, d1) -> (0)>
#map1 = affine_map<(d0, d1) -> (0, 0)>
#map2 = affine_map<(d0, d1) -> (0, 0, 0, 0)>
module attributes {stable_mosaic.version = 14 : i64} {
  func.func @body(%arg0: i32, %arg1: i32, %arg2: memref<16384xi32, #tpu.memory_space<hbm>>, %arg3: memref<16384xi32, #tpu.memory_space<hbm>>, %arg4: memref<32x1000000xf32, #tpu.memory_space<hbm>>, %arg5: memref<32x1000000xf32, #tpu.memory_space<hbm>>, %arg6: memref<4x128x8x128xf32, #tpu.memory_space<hbm>>, %arg7: memref<4x128x8x128xf32, #tpu.memory_space<hbm>>, %arg8: memref<528xi32, #tpu.memory_space<vmem>>, %arg9: memref<528xi32, #tpu.memory_space<vmem>>, %arg10: memref<4x32x128xf32, #tpu.memory_space<vmem>>, %arg11: memref<4x32x128xf32, #tpu.memory_space<vmem>>, %arg12: memref<4x4x8x128xf32, #tpu.memory_space<vmem>>, %arg13: memref<4x4x8x128xf32, #tpu.memory_space<vmem>>, %arg14: memref<!tpu.dma_semaphore, #tpu.memory_space<semaphore_mem>>, %arg15: memref<!tpu.dma_semaphore, #tpu.memory_space<semaphore_mem>>, %arg16: memref<!tpu.dma_semaphore, #tpu.memory_space<semaphore_mem>>, %arg17: memref<!tpu.dma_semaphore, #tpu.memory_space<semaphore_mem>>, %arg18: memref<!tpu.dma_semaphore, #tpu.memory_space<semaphore_mem>>, %arg19: memref<!tpu.dma_semaphore, #tpu.memory_space<semaphore_mem>>, %arg20: memref<!tpu.dma_semaphore, #tpu.memory_space<semaphore_mem>>, %arg21: memref<!tpu.dma_semaphore, #tpu.memory_space<semaphore_mem>>) attributes {dimension_semantics = [#tpu.dimension_semantics<core_parallel>, #tpu.dimension_semantics<subcore_parallel>], iteration_bounds = array<i64: 2, 16>, scalar_prefetch = 0 : i64, scratch_operands = 14 : i64, tpu.core_type = #tpu.core_type<sc_vector_subcore>, window_params = [{transform_indices = #map}, {transform_indices = #map}, {transform_indices = #map1}, {transform_indices = #map1}, {transform_indices = #map2}, {transform_indices = #map2}]} {
    %mul3A = arith.constant 2 : i32
    %mul3A_0 = arith.muli %arg1, %mul3A : i32
    %add3A = arith.addi %mul3A_0, %arg0 : i32
    %mul3A_1 = arith.constant 512 : i32
    %mul3A_2 = arith.muli %add3A, %mul3A_1 : i32
    "tpu.region"() ({
      %run_scoped3A = tpu.sem_alloc : memref<!tpu.dma_semaphore, #tpu.memory_space<semaphore_mem>>
      %dma_start3A_183 = arith.constant 0 : i32
      %dma_start3A_184 = tpu.memref_slice %arg8[%dma_start3A_183] : memref<528xi32, #tpu.memory_space<vmem>> -> memref<512xi32, #tpu.memory_space<vmem>>
      %dma_start3A_185 = tpu.memref_slice %arg2[%mul3A_2] : memref<16384xi32, #tpu.memory_space<hbm>> -> memref<512xi32, #tpu.memory_space<hbm>>
      %dma_start3A_186 = arith.constant 0 : i32
      %dma_start3A_187 = tpu.memref_slice %arg8[%dma_start3A_186] : memref<528xi32, #tpu.memory_space<vmem>> -> memref<512xi32, #tpu.memory_space<vmem>>
      %dma_start3A_188 = tpu.memref_slice %arg2[%mul3A_2] : memref<16384xi32, #tpu.memory_space<hbm>> -> memref<512xi32, #tpu.memory_space<hbm>>
      tpu.enqueue_dma source(%dma_start3A_188 : memref<512xi32, #tpu.memory_space<hbm>>) target(%dma_start3A_187 : memref<512xi32, #tpu.memory_space<vmem>>) target_semaphore(%run_scoped3A : memref<!tpu.dma_semaphore, #tpu.memory_space<semaphore_mem>>)
      %dma_wait3A = arith.constant 0 : i32
      %dma_wait3A_189 = tpu.memref_slice %arg8[%dma_wait3A] : memref<528xi32, #tpu.memory_space<vmem>> -> memref<512xi32, #tpu.memory_space<vmem>>
      %dma_wait3A_190 = tpu.memref_slice %arg2[%mul3A_2] : memref<16384xi32, #tpu.memory_space<hbm>> -> memref<512xi32, #tpu.memory_space<hbm>>
      %dma_wait3A_191 = arith.constant 0 : i32
      %dma_wait3A_192 = tpu.memref_slice %arg8[%dma_wait3A_191] : memref<528xi32, #tpu.memory_space<vmem>> -> memref<512xi32, #tpu.memory_space<vmem>>
      %dma_wait3A_193 = tpu.memref_slice %arg2[%mul3A_2] : memref<16384xi32, #tpu.memory_space<hbm>> -> memref<512xi32, #tpu.memory_space<hbm>>
      tpu.wait_dma2 semaphore(%run_scoped3A : memref<!tpu.dma_semaphore, #tpu.memory_space<semaphore_mem>>) src(%dma_wait3A_193 : memref<512xi32, #tpu.memory_space<hbm>>) dst(%dma_wait3A_192 : memref<512xi32, #tpu.memory_space<vmem>>)
      tpu.yield
    }) : () -> ()
    "tpu.region"() ({
      %run_scoped3A = tpu.sem_alloc : memref<!tpu.dma_semaphore, #tpu.memory_space<semaphore_mem>>
      %dma_start3A_183 = arith.constant 0 : i32
      %dma_start3A_184 = tpu.memref_slice %arg9[%dma_start3A_183] : memref<528xi32, #tpu.memory_space<vmem>> -> memref<512xi32, #tpu.memory_space<vmem>>
      %dma_start3A_185 = tpu.memref_slice %arg3[%mul3A_2] : memref<16384xi32, #tpu.memory_space<hbm>> -> memref<512xi32, #tpu.memory_space<hbm>>
      %dma_start3A_186 = arith.constant 0 : i32
      %dma_start3A_187 = tpu.memref_slice %arg9[%dma_start3A_186] : memref<528xi32, #tpu.memory_space<vmem>> -> memref<512xi32, #tpu.memory_space<vmem>>
      %dma_start3A_188 = tpu.memref_slice %arg3[%mul3A_2] : memref<16384xi32, #tpu.memory_space<hbm>> -> memref<512xi32, #tpu.memory_space<hbm>>
      tpu.enqueue_dma source(%dma_start3A_188 : memref<512xi32, #tpu.memory_space<hbm>>) target(%dma_start3A_187 : memref<512xi32, #tpu.memory_space<vmem>>) target_semaphore(%run_scoped3A : memref<!tpu.dma_semaphore, #tpu.memory_space<semaphore_mem>>)
      %dma_wait3A = arith.constant 0 : i32
      %dma_wait3A_189 = tpu.memref_slice %arg9[%dma_wait3A] : memref<528xi32, #tpu.memory_space<vmem>> -> memref<512xi32, #tpu.memory_space<vmem>>
      %dma_wait3A_190 = tpu.memref_slice %arg3[%mul3A_2] : memref<16384xi32, #tpu.memory_space<hbm>> -> memref<512xi32, #tpu.memory_space<hbm>>
      %dma_wait3A_191 = arith.constant 0 : i32
      %dma_wait3A_192 = tpu.memref_slice %arg9[%dma_wait3A_191] : memref<528xi32, #tpu.memory_space<vmem>> -> memref<512xi32, #tpu.memory_space<vmem>>
      %dma_wait3A_193 = tpu.memref_slice %arg3[%mul3A_2] : memref<16384xi32, #tpu.memory_space<hbm>> -> memref<512xi32, #tpu.memory_space<hbm>>
      tpu.wait_dma2 semaphore(%run_scoped3A : memref<!tpu.dma_semaphore, #tpu.memory_space<semaphore_mem>>) src(%dma_wait3A_193 : memref<512xi32, #tpu.memory_space<hbm>>) dst(%dma_wait3A_192 : memref<512xi32, #tpu.memory_space<vmem>>)
      tpu.yield
    }) : () -> ()
    %iota3A = tpu.iota {dimensions = array<i32: 0>} : vector<16xi32>
    %add3A_3 = arith.constant 16 : i32
    %add3A_4 = vector.broadcast %add3A_3 : i32 to vector<16xi32>
    %add3A_5 = arith.addi %iota3A, %add3A_4 : vector<16xi32>
    %and3A = arith.constant 7 : i32
    %and3A_6 = vector.broadcast %and3A : i32 to vector<16xi32>
    %and3A_7 = arith.andi %iota3A, %and3A_6 : vector<16xi32>
    %and3A_8 = arith.constant 7 : i32
    %and3A_9 = vector.broadcast %and3A_8 : i32 to vector<16xi32>
    %and3A_10 = arith.andi %add3A_5, %and3A_9 : vector<16xi32>
    %shift_right_logical3A = arith.constant 3 : i32
    %shift_right_logical3A_11 = vector.broadcast %shift_right_logical3A : i32 to vector<16xi32>
    %shift_right_logical3A_12 = arith.shrui %iota3A, %shift_right_logical3A_11 : vector<16xi32>
    %shift_right_logical3A_13 = arith.constant 3 : i32
    %shift_right_logical3A_14 = vector.broadcast %shift_right_logical3A_13 : i32 to vector<16xi32>
    %shift_right_logical3A_15 = arith.shrui %add3A_5, %shift_right_logical3A_14 : vector<16xi32>
    %get3A = arith.constant 0 : index
    %get3A_16 = tpu.vector_load %arg8[%get3A] {strides = array<i32>} : memref<528xi32, #tpu.memory_space<vmem>>, vector<16xi32>,
    %get3A_17 = arith.constant 0 : index
    %get3A_18 = tpu.vector_load %arg9[%get3A_17] {strides = array<i32>} : memref<528xi32, #tpu.memory_space<vmem>>, vector<16xi32>,
    %slice3A = vector.extract_strided_slice %get3A_16 {offsets = [0], sizes = [1], strides = [1]} : vector<16xi32> to vector<1xi32>
    %squeeze3A = vector.extract %slice3A[0] : i32 from vector<1xi32>
    %shift_right_logical3A_19 = arith.constant 7 : i32
    %shift_right_logical3A_20 = arith.shrui %squeeze3A, %shift_right_logical3A_19 : i32
    %mul3A_21 = arith.constant 128 : i32
    %mul3A_22 = arith.muli %shift_right_logical3A_20, %mul3A_21 : i32
    %multiple_of3A = tpu.assume_multiple %mul3A_22, 128 : i32
    %dma_start3A = arith.constant 0 : i32
    %dma_start3A_23 = arith.constant 0 : i32
    %dma_start3A_24 = arith.constant 0 : i32
    %dma_start3A_25 = tpu.memref_slice %arg10[%dma_start3A, %dma_start3A_23, %dma_start3A_24] : memref<4x32x128xf32, #tpu.memory_space<vmem>> -> memref<1x32x128xf32, #tpu.memory_space<vmem>>
    %dma_start3A_26 = tpu.memref_squeeze %dma_start3A_25 : memref<1x32x128xf32, #tpu.memory_space<vmem>> -> memref<32x128xf32, #tpu.memory_space<vmem>>
    %dma_start3A_27 = arith.constant 0 : i32
    %dma_start3A_28 = tpu.memref_slice %arg4[%dma_start3A_27, %multiple_of3A] : memref<32x1000000xf32, #tpu.memory_space<hbm>> -> memref<32x128xf32, #tpu.memory_space<hbm>>
    %dma_start3A_29 = arith.constant 0 : i32
    %dma_start3A_30 = arith.constant 0 : i32
    %dma_start3A_31 = tpu.memref_slice %arg10[%dma_start3A, %dma_start3A_29, %dma_start3A_30] : memref<4x32x128xf32, #tpu.memory_space<vmem>> -> memref<1x32x128xf32, #tpu.memory_space<vmem>>
    %dma_start3A_32 = tpu.memref_squeeze %dma_start3A_31 : memref<1x32x128xf32, #tpu.memory_space<vmem>> -> memref<32x128xf32, #tpu.memory_space<vmem>>
    %dma_start3A_33 = arith.constant 0 : i32
    %dma_start3A_34 = tpu.memref_slice %arg4[%dma_start3A_33, %multiple_of3A] : memref<32x1000000xf32, #tpu.memory_space<hbm>> -> memref<32x128xf32, #tpu.memory_space<hbm>>
    tpu.enqueue_dma source(%dma_start3A_34 : memref<32x128xf32, #tpu.memory_space<hbm>>) target(%dma_start3A_32 : memref<32x128xf32, #tpu.memory_space<vmem>>) target_semaphore(%arg14 : memref<!tpu.dma_semaphore, #tpu.memory_space<semaphore_mem>>)
    %slice3A_35 = vector.extract_strided_slice %get3A_18 {offsets = [0], sizes = [1], strides = [1]} : vector<16xi32> to vector<1xi32>
    %squeeze3A_36 = vector.extract %slice3A_35[0] : i32 from vector<1xi32>
    %shift_right_logical3A_37 = arith.constant 7 : i32
    %shift_right_logical3A_38 = arith.shrui %squeeze3A_36, %shift_right_logical3A_37 : i32
    %mul3A_39 = arith.constant 128 : i32
    %mul3A_40 = arith.muli %shift_right_logical3A_38, %mul3A_39 : i32
    %multiple_of3A_41 = tpu.assume_multiple %mul3A_40, 128 : i32
    %dma_start3A_42 = arith.constant 0 : i32
    %dma_start3A_43 = arith.constant 0 : i32
    %dma_start3A_44 = arith.constant 0 : i32
    %dma_start3A_45 = tpu.memref_slice %arg11[%dma_start3A_42, %dma_start3A_43, %dma_start3A_44] : memref<4x32x128xf32, #tpu.memory_space<vmem>> -> memref<1x32x128xf32, #tpu.memory_space<vmem>>
    %dma_start3A_46 = tpu.memref_squeeze %dma_start3A_45 : memref<1x32x128xf32, #tpu.memory_space<vmem>> -> memref<32x128xf32, #tpu.memory_space<vmem>>
    %dma_start3A_47 = arith.constant 0 : i32
    %dma_start3A_48 = tpu.memref_slice %arg5[%dma_start3A_47, %multiple_of3A_41] : memref<32x1000000xf32, #tpu.memory_space<hbm>> -> memref<32x128xf32, #tpu.memory_space<hbm>>
    %dma_start3A_49 = arith.constant 0 : i32
    %dma_start3A_50 = arith.constant 0 : i32
    %dma_start3A_51 = tpu.memref_slice %arg11[%dma_start3A_42, %dma_start3A_49, %dma_start3A_50] : memref<4x32x128xf32, #tpu.memory_space<vmem>> -> memref<1x32x128xf32, #tpu.memory_space<vmem>>
    %dma_start3A_52 = tpu.memref_squeeze %dma_start3A_51 : memref<1x32x128xf32, #tpu.memory_space<vmem>> -> memref<32x128xf32, #tpu.memory_space<vmem>>
    %dma_start3A_53 = arith.constant 0 : i32
    %dma_start3A_54 = tpu.memref_slice %arg5[%dma_start3A_53, %multiple_of3A_41] : memref<32x1000000xf32, #tpu.memory_space<hbm>> -> memref<32x128xf32, #tpu.memory_space<hbm>>
    tpu.enqueue_dma source(%dma_start3A_54 : memref<32x128xf32, #tpu.memory_space<hbm>>) target(%dma_start3A_52 : memref<32x128xf32, #tpu.memory_space<vmem>>) target_semaphore(%arg18 : memref<!tpu.dma_semaphore, #tpu.memory_space<semaphore_mem>>)
    %slice3A_55 = vector.extract_strided_slice %get3A_16 {offsets = [1], sizes = [1], strides = [1]} : vector<16xi32> to vector<1xi32>
    %squeeze3A_56 = vector.extract %slice3A_55[0] : i32 from vector<1xi32>
    %shift_right_logical3A_57 = arith.constant 7 : i32
    %shift_right_logical3A_58 = arith.shrui %squeeze3A_56, %shift_right_logical3A_57 : i32
    %mul3A_59 = arith.constant 128 : i32
    %mul3A_60 = arith.muli %shift_right_logical3A_58, %mul3A_59 : i32
    %multiple_of3A_61 = tpu.assume_multiple %mul3A_60, 128 : i32
    %dma_start3A_62 = arith.constant 1 : i32
    %dma_start3A_63 = arith.constant 0 : i32
    %dma_start3A_64 = arith.constant 0 : i32
    %dma_start3A_65 = tpu.memref_slice %arg10[%dma_start3A_62, %dma_start3A_63, %dma_start3A_64] : memref<4x32x128xf32, #tpu.memory_space<vmem>> -> memref<1x32x128xf32, #tpu.memory_space<vmem>>
    %dma_start3A_66 = tpu.memref_squeeze %dma_start3A_65 : memref<1x32x128xf32, #tpu.memory_space<vmem>> -> memref<32x128xf32, #tpu.memory_space<vmem>>
    %dma_start3A_67 = arith.constant 0 : i32
    %dma_start3A_68 = tpu.memref_slice %arg4[%dma_start3A_67, %multiple_of3A_61] : memref<32x1000000xf32, #tpu.memory_space<hbm>> -> memref<32x128xf32, #tpu.memory_space<hbm>>
    %dma_start3A_69 = arith.constant 0 : i32
    %dma_start3A_70 = arith.constant 0 : i32
    %dma_start3A_71 = tpu.memref_slice %arg10[%dma_start3A_62, %dma_start3A_69, %dma_start3A_70] : memref<4x32x128xf32, #tpu.memory_space<vmem>> -> memref<1x32x128xf32, #tpu.memory_space<vmem>>
    %dma_start3A_72 = tpu.memref_squeeze %dma_start3A_71 : memref<1x32x128xf32, #tpu.memory_space<vmem>> -> memref<32x128xf32, #tpu.memory_space<vmem>>
    %dma_start3A_73 = arith.constant 0 : i32
    %dma_start3A_74 = tpu.memref_slice %arg4[%dma_start3A_73, %multiple_of3A_61] : memref<32x1000000xf32, #tpu.memory_space<hbm>> -> memref<32x128xf32, #tpu.memory_space<hbm>>
    tpu.enqueue_dma source(%dma_start3A_74 : memref<32x128xf32, #tpu.memory_space<hbm>>) target(%dma_start3A_72 : memref<32x128xf32, #tpu.memory_space<vmem>>) target_semaphore(%arg15 : memref<!tpu.dma_semaphore, #tpu.memory_space<semaphore_mem>>)
    %slice3A_75 = vector.extract_strided_slice %get3A_18 {offsets = [1], sizes = [1], strides = [1]} : vector<16xi32> to vector<1xi32>
    %squeeze3A_76 = vector.extract %slice3A_75[0] : i32 from vector<1xi32>
    %shift_right_logical3A_77 = arith.constant 7 : i32
    %shift_right_logical3A_78 = arith.shrui %squeeze3A_76, %shift_right_logical3A_77 : i32
    %mul3A_79 = arith.constant 128 : i32
    %mul3A_80 = arith.muli %shift_right_logical3A_78, %mul3A_79 : i32
    %multiple_of3A_81 = tpu.assume_multiple %mul3A_80, 128 : i32
    %dma_start3A_82 = arith.constant 1 : i32
    %dma_start3A_83 = arith.constant 0 : i32
    %dma_start3A_84 = arith.constant 0 : i32
    %dma_start3A_85 = tpu.memref_slice %arg11[%dma_start3A_82, %dma_start3A_83, %dma_start3A_84] : memref<4x32x128xf32, #tpu.memory_space<vmem>> -> memref<1x32x128xf32, #tpu.memory_space<vmem>>
    %dma_start3A_86 = tpu.memref_squeeze %dma_start3A_85 : memref<1x32x128xf32, #tpu.memory_space<vmem>> -> memref<32x128xf32, #tpu.memory_space<vmem>>
    %dma_start3A_87 = arith.constant 0 : i32
    %dma_start3A_88 = tpu.memref_slice %arg5[%dma_start3A_87, %multiple_of3A_81] : memref<32x1000000xf32, #tpu.memory_space<hbm>> -> memref<32x128xf32, #tpu.memory_space<hbm>>
    %dma_start3A_89 = arith.constant 0 : i32
    %dma_start3A_90 = arith.constant 0 : i32
    %dma_start3A_91 = tpu.memref_slice %arg11[%dma_start3A_82, %dma_start3A_89, %dma_start3A_90] : memref<4x32x128xf32, #tpu.memory_space<vmem>> -> memref<1x32x128xf32, #tpu.memory_space<vmem>>
    %dma_start3A_92 = tpu.memref_squeeze %dma_start3A_91 : memref<1x32x128xf32, #tpu.memory_space<vmem>> -> memref<32x128xf32, #tpu.memory_space<vmem>>
    %dma_start3A_93 = arith.constant 0 : i32
    %dma_start3A_94 = tpu.memref_slice %arg5[%dma_start3A_93, %multiple_of3A_81] : memref<32x1000000xf32, #tpu.memory_space<hbm>> -> memref<32x128xf32, #tpu.memory_space<hbm>>
    tpu.enqueue_dma source(%dma_start3A_94 : memref<32x128xf32, #tpu.memory_space<hbm>>) target(%dma_start3A_92 : memref<32x128xf32, #tpu.memory_space<vmem>>) target_semaphore(%arg19 : memref<!tpu.dma_semaphore, #tpu.memory_space<semaphore_mem>>)
    %slice3A_95 = vector.extract_strided_slice %get3A_16 {offsets = [2], sizes = [1], strides = [1]} : vector<16xi32> to vector<1xi32>
    %squeeze3A_96 = vector.extract %slice3A_95[0] : i32 from vector<1xi32>
    %shift_right_logical3A_97 = arith.constant 7 : i32
    %shift_right_logical3A_98 = arith.shrui %squeeze3A_96, %shift_right_logical3A_97 : i32
    %mul3A_99 = arith.constant 128 : i32
    %mul3A_100 = arith.muli %shift_right_logical3A_98, %mul3A_99 : i32
    %multiple_of3A_101 = tpu.assume_multiple %mul3A_100, 128 : i32
    %dma_start3A_102 = arith.constant 2 : i32
    %dma_start3A_103 = arith.constant 0 : i32
    %dma_start3A_104 = arith.constant 0 : i32
    %dma_start3A_105 = tpu.memref_slice %arg10[%dma_start3A_102, %dma_start3A_103, %dma_start3A_104] : memref<4x32x128xf32, #tpu.memory_space<vmem>> -> memref<1x32x128xf32, #tpu.memory_space<vmem>>
    %dma_start3A_106 = tpu.memref_squeeze %dma_start3A_105 : memref<1x32x128xf32, #tpu.memory_space<vmem>> -> memref<32x128xf32, #tpu.memory_space<vmem>>
    %dma_start3A_107 = arith.constant 0 : i32
    %dma_start3A_108 = tpu.memref_slice %arg4[%dma_start3A_107, %multiple_of3A_101] : memref<32x1000000xf32, #tpu.memory_space<hbm>> -> memref<32x128xf32, #tpu.memory_space<hbm>>
    %dma_start3A_109 = arith.constant 0 : i32
    %dma_start3A_110 = arith.constant 0 : i32
    %dma_start3A_111 = tpu.memref_slice %arg10[%dma_start3A_102, %dma_start3A_109, %dma_start3A_110] : memref<4x32x128xf32, #tpu.memory_space<vmem>> -> memref<1x32x128xf32, #tpu.memory_space<vmem>>
    %dma_start3A_112 = tpu.memref_squeeze %dma_start3A_111 : memref<1x32x128xf32, #tpu.memory_space<vmem>> -> memref<32x128xf32, #tpu.memory_space<vmem>>
    %dma_start3A_113 = arith.constant 0 : i32
    %dma_start3A_114 = tpu.memref_slice %arg4[%dma_start3A_113, %multiple_of3A_101] : memref<32x1000000xf32, #tpu.memory_space<hbm>> -> memref<32x128xf32, #tpu.memory_space<hbm>>
    tpu.enqueue_dma source(%dma_start3A_114 : memref<32x128xf32, #tpu.memory_space<hbm>>) target(%dma_start3A_112 : memref<32x128xf32, #tpu.memory_space<vmem>>) target_semaphore(%arg16 : memref<!tpu.dma_semaphore, #tpu.memory_space<semaphore_mem>>)
    %slice3A_115 = vector.extract_strided_slice %get3A_18 {offsets = [2], sizes = [1], strides = [1]} : vector<16xi32> to vector<1xi32>
    %squeeze3A_116 = vector.extract %slice3A_115[0] : i32 from vector<1xi32>
    %shift_right_logical3A_117 = arith.constant 7 : i32
    %shift_right_logical3A_118 = arith.shrui %squeeze3A_116, %shift_right_logical3A_117 : i32
    %mul3A_119 = arith.constant 128 : i32
    %mul3A_120 = arith.muli %shift_right_logical3A_118, %mul3A_119 : i32
    %multiple_of3A_121 = tpu.assume_multiple %mul3A_120, 128 : i32
    %dma_start3A_122 = arith.constant 2 : i32
    %dma_start3A_123 = arith.constant 0 : i32
    %dma_start3A_124 = arith.constant 0 : i32
    %dma_start3A_125 = tpu.memref_slice %arg11[%dma_start3A_122, %dma_start3A_123, %dma_start3A_124] : memref<4x32x128xf32, #tpu.memory_space<vmem>> -> memref<1x32x128xf32, #tpu.memory_space<vmem>>
    %dma_start3A_126 = tpu.memref_squeeze %dma_start3A_125 : memref<1x32x128xf32, #tpu.memory_space<vmem>> -> memref<32x128xf32, #tpu.memory_space<vmem>>
    %dma_start3A_127 = arith.constant 0 : i32
    %dma_start3A_128 = tpu.memref_slice %arg5[%dma_start3A_127, %multiple_of3A_121] : memref<32x1000000xf32, #tpu.memory_space<hbm>> -> memref<32x128xf32, #tpu.memory_space<hbm>>
    %dma_start3A_129 = arith.constant 0 : i32
    %dma_start3A_130 = arith.constant 0 : i32
    %dma_start3A_131 = tpu.memref_slice %arg11[%dma_start3A_122, %dma_start3A_129, %dma_start3A_130] : memref<4x32x128xf32, #tpu.memory_space<vmem>> -> memref<1x32x128xf32, #tpu.memory_space<vmem>>
    %dma_start3A_132 = tpu.memref_squeeze %dma_start3A_131 : memref<1x32x128xf32, #tpu.memory_space<vmem>> -> memref<32x128xf32, #tpu.memory_space<vmem>>
    %dma_start3A_133 = arith.constant 0 : i32
    %dma_start3A_134 = tpu.memref_slice %arg5[%dma_start3A_133, %multiple_of3A_121] : memref<32x1000000xf32, #tpu.memory_space<hbm>> -> memref<32x128xf32, #tpu.memory_space<hbm>>
    tpu.enqueue_dma source(%dma_start3A_134 : memref<32x128xf32, #tpu.memory_space<hbm>>) target(%dma_start3A_132 : memref<32x128xf32, #tpu.memory_space<vmem>>) target_semaphore(%arg20 : memref<!tpu.dma_semaphore, #tpu.memory_space<semaphore_mem>>)
    %slice3A_135 = vector.extract_strided_slice %get3A_16 {offsets = [3], sizes = [1], strides = [1]} : vector<16xi32> to vector<1xi32>
    %squeeze3A_136 = vector.extract %slice3A_135[0] : i32 from vector<1xi32>
    %shift_right_logical3A_137 = arith.constant 7 : i32
    %shift_right_logical3A_138 = arith.shrui %squeeze3A_136, %shift_right_logical3A_137 : i32
    %mul3A_139 = arith.constant 128 : i32
    %mul3A_140 = arith.muli %shift_right_logical3A_138, %mul3A_139 : i32
    %multiple_of3A_141 = tpu.assume_multiple %mul3A_140, 128 : i32
    %dma_start3A_142 = arith.constant 3 : i32
    %dma_start3A_143 = arith.constant 0 : i32
    %dma_start3A_144 = arith.constant 0 : i32
    %dma_start3A_145 = tpu.memref_slice %arg10[%dma_start3A_142, %dma_start3A_143, %dma_start3A_144] : memref<4x32x128xf32, #tpu.memory_space<vmem>> -> memref<1x32x128xf32, #tpu.memory_space<vmem>>
    %dma_start3A_146 = tpu.memref_squeeze %dma_start3A_145 : memref<1x32x128xf32, #tpu.memory_space<vmem>> -> memref<32x128xf32, #tpu.memory_space<vmem>>
    %dma_start3A_147 = arith.constant 0 : i32
    %dma_start3A_148 = tpu.memref_slice %arg4[%dma_start3A_147, %multiple_of3A_141] : memref<32x1000000xf32, #tpu.memory_space<hbm>> -> memref<32x128xf32, #tpu.memory_space<hbm>>
    %dma_start3A_149 = arith.constant 0 : i32
    %dma_start3A_150 = arith.constant 0 : i32
    %dma_start3A_151 = tpu.memref_slice %arg10[%dma_start3A_142, %dma_start3A_149, %dma_start3A_150] : memref<4x32x128xf32, #tpu.memory_space<vmem>> -> memref<1x32x128xf32, #tpu.memory_space<vmem>>
    %dma_start3A_152 = tpu.memref_squeeze %dma_start3A_151 : memref<1x32x128xf32, #tpu.memory_space<vmem>> -> memref<32x128xf32, #tpu.memory_space<vmem>>
    %dma_start3A_153 = arith.constant 0 : i32
    %dma_start3A_154 = tpu.memref_slice %arg4[%dma_start3A_153, %multiple_of3A_141] : memref<32x1000000xf32, #tpu.memory_space<hbm>> -> memref<32x128xf32, #tpu.memory_space<hbm>>
    tpu.enqueue_dma source(%dma_start3A_154 : memref<32x128xf32, #tpu.memory_space<hbm>>) target(%dma_start3A_152 : memref<32x128xf32, #tpu.memory_space<vmem>>) target_semaphore(%arg17 : memref<!tpu.dma_semaphore, #tpu.memory_space<semaphore_mem>>)
    %slice3A_155 = vector.extract_strided_slice %get3A_18 {offsets = [3], sizes = [1], strides = [1]} : vector<16xi32> to vector<1xi32>
    %squeeze3A_156 = vector.extract %slice3A_155[0] : i32 from vector<1xi32>
    %shift_right_logical3A_157 = arith.constant 7 : i32
    %shift_right_logical3A_158 = arith.shrui %squeeze3A_156, %shift_right_logical3A_157 : i32
    %mul3A_159 = arith.constant 128 : i32
    %mul3A_160 = arith.muli %shift_right_logical3A_158, %mul3A_159 : i32
    %multiple_of3A_161 = tpu.assume_multiple %mul3A_160, 128 : i32
    %dma_start3A_162 = arith.constant 3 : i32
    %dma_start3A_163 = arith.constant 0 : i32
    %dma_start3A_164 = arith.constant 0 : i32
    %dma_start3A_165 = tpu.memref_slice %arg11[%dma_start3A_162, %dma_start3A_163, %dma_start3A_164] : memref<4x32x128xf32, #tpu.memory_space<vmem>> -> memref<1x32x128xf32, #tpu.memory_space<vmem>>
    %dma_start3A_166 = tpu.memref_squeeze %dma_start3A_165 : memref<1x32x128xf32, #tpu.memory_space<vmem>> -> memref<32x128xf32, #tpu.memory_space<vmem>>
    %dma_start3A_167 = arith.constant 0 : i32
    %dma_start3A_168 = tpu.memref_slice %arg5[%dma_start3A_167, %multiple_of3A_161] : memref<32x1000000xf32, #tpu.memory_space<hbm>> -> memref<32x128xf32, #tpu.memory_space<hbm>>
    %dma_start3A_169 = arith.constant 0 : i32
    %dma_start3A_170 = arith.constant 0 : i32
    %dma_start3A_171 = tpu.memref_slice %arg11[%dma_start3A_162, %dma_start3A_169, %dma_start3A_170] : memref<4x32x128xf32, #tpu.memory_space<vmem>> -> memref<1x32x128xf32, #tpu.memory_space<vmem>>
    %dma_start3A_172 = tpu.memref_squeeze %dma_start3A_171 : memref<1x32x128xf32, #tpu.memory_space<vmem>> -> memref<32x128xf32, #tpu.memory_space<vmem>>
    %dma_start3A_173 = arith.constant 0 : i32
    %dma_start3A_174 = tpu.memref_slice %arg5[%dma_start3A_173, %multiple_of3A_161] : memref<32x1000000xf32, #tpu.memory_space<hbm>> -> memref<32x128xf32, #tpu.memory_space<hbm>>
    tpu.enqueue_dma source(%dma_start3A_174 : memref<32x128xf32, #tpu.memory_space<hbm>>) target(%dma_start3A_172 : memref<32x128xf32, #tpu.memory_space<vmem>>) target_semaphore(%arg21 : memref<!tpu.dma_semaphore, #tpu.memory_space<semaphore_mem>>)
    %scan3A = arith.constant 0 : i32
    %scan3A_175 = arith.constant 128 : i32
    %scan3A_176 = arith.addi %scan3A, %scan3A_175 : i32
    %scan3A_177 = arith.constant 1 : i32
    scf.for %scan3A_183 = %scan3A to %scan3A_176 step %scan3A_177  : i32 {
      %mul3A_184 = arith.constant 4 : i32
      %mul3A_185 = arith.muli %scan3A_183, %mul3A_184 : i32
      %get3A_186 = arith.index_cast %mul3A_185 : i32 to index
      %get3A_187 = tpu.vector_load %arg8[%get3A_186] {strides = array<i32>} : memref<528xi32, #tpu.memory_space<vmem>>, vector<16xi32>,
      %mul3A_188 = arith.constant 4 : i32
      %mul3A_189 = arith.muli %scan3A_183, %mul3A_188 : i32
      %add3A_190 = arith.constant 0 : i32
      %add3A_191 = arith.addi %mul3A_189, %add3A_190 : i32
      %dma_wait3A = arith.constant 0 : i32
      %dma_wait3A_192 = arith.constant 0 : i32
      %dma_wait3A_193 = arith.constant 0 : i32
      %dma_wait3A_194 = tpu.memref_slice %arg10[%dma_wait3A, %dma_wait3A_192, %dma_wait3A_193] : memref<4x32x128xf32, #tpu.memory_space<vmem>> -> memref<1x32x128xf32, #tpu.memory_space<vmem>>
      %dma_wait3A_195 = tpu.memref_squeeze %dma_wait3A_194 : memref<1x32x128xf32, #tpu.memory_space<vmem>> -> memref<32x128xf32, #tpu.memory_space<vmem>>
      %dma_wait3A_196 = arith.constant 0 : i32
      %dma_wait3A_197 = arith.constant 0 : i32
      %dma_wait3A_198 = tpu.memref_slice %arg4[%dma_wait3A_196, %dma_wait3A_197] : memref<32x1000000xf32, #tpu.memory_space<hbm>> -> memref<32x128xf32, #tpu.memory_space<hbm>>
      %dma_wait3A_199 = arith.constant 0 : i32
      %dma_wait3A_200 = arith.constant 0 : i32
      %dma_wait3A_201 = tpu.memref_slice %arg10[%dma_wait3A, %dma_wait3A_199, %dma_wait3A_200] : memref<4x32x128xf32, #tpu.memory_space<vmem>> -> memref<1x32x128xf32, #tpu.memory_space<vmem>>
      %dma_wait3A_202 = tpu.memref_squeeze %dma_wait3A_201 : memref<1x32x128xf32, #tpu.memory_space<vmem>> -> memref<32x128xf32, #tpu.memory_space<vmem>>
      %dma_wait3A_203 = arith.constant 0 : i32
      %dma_wait3A_204 = arith.constant 0 : i32
      %dma_wait3A_205 = tpu.memref_slice %arg4[%dma_wait3A_203, %dma_wait3A_204] : memref<32x1000000xf32, #tpu.memory_space<hbm>> -> memref<32x128xf32, #tpu.memory_space<hbm>>
      tpu.wait_dma2 semaphore(%arg14 : memref<!tpu.dma_semaphore, #tpu.memory_space<semaphore_mem>>) src(%dma_wait3A_205 : memref<32x128xf32, #tpu.memory_space<hbm>>) dst(%dma_wait3A_202 : memref<32x128xf32, #tpu.memory_space<vmem>>)
      %slice3A_206 = vector.extract_strided_slice %get3A_187 {offsets = [0], sizes = [1], strides = [1]} : vector<16xi32> to vector<1xi32>
      %squeeze3A_207 = vector.extract %slice3A_206[0] : i32 from vector<1xi32>
      %and3A_208 = arith.constant 127 : i32
      %and3A_209 = arith.andi %squeeze3A_207, %and3A_208 : i32
      %broadcast_in_dim3A = vector.broadcast %and3A_209 : i32 to vector<16xi32>
      %shift_right_logical3A_210 = arith.constant 7 : i32
      %shift_right_logical3A_211 = arith.shrui %add3A_191, %shift_right_logical3A_210 : i32
      %broadcast_in_dim3A_212 = vector.broadcast %shift_right_logical3A_211 : i32 to vector<16xi32>
      %and3A_213 = arith.constant 127 : i32
      %and3A_214 = arith.andi %add3A_191, %and3A_213 : i32
      %broadcast_in_dim3A_215 = vector.broadcast %and3A_214 : i32 to vector<16xi32>
      %gather3A = arith.constant 0 : i32
      %gather3A_216 = arith.constant 0 : i32
      %gather3A_217 = arith.constant 0 : i32
      %gather3A_218 = tpu.memref_slice %arg10[%gather3A, %gather3A_216, %gather3A_217] : memref<4x32x128xf32, #tpu.memory_space<vmem>> -> memref<1x32x128xf32, #tpu.memory_space<vmem>>
      %gather3A_219 = tpu.memref_squeeze %gather3A_218 : memref<1x32x128xf32, #tpu.memory_space<vmem>> -> memref<32x128xf32, #tpu.memory_space<vmem>>
      %gather3A_220 = tpu.vector_load_idx %gather3A_219[%iota3A, %broadcast_in_dim3A] : memref<32x128xf32, #tpu.memory_space<vmem>>[vector<16xi32>, vector<16xi32>], vector<16xf32>,
      %gather3A_221 = arith.constant 0 : i32
      %gather3A_222 = arith.constant 0 : i32
      %gather3A_223 = arith.constant 0 : i32
      %gather3A_224 = tpu.memref_slice %arg10[%gather3A_221, %gather3A_222, %gather3A_223] : memref<4x32x128xf32, #tpu.memory_space<vmem>> -> memref<1x32x128xf32, #tpu.memory_space<vmem>>
      %gather3A_225 = tpu.memref_squeeze %gather3A_224 : memref<1x32x128xf32, #tpu.memory_space<vmem>> -> memref<32x128xf32, #tpu.memory_space<vmem>>
      %gather3A_226 = tpu.vector_load_idx %gather3A_225[%add3A_5, %broadcast_in_dim3A] : memref<32x128xf32, #tpu.memory_space<vmem>>[vector<16xi32>, vector<16xi32>], vector<16xf32>,
      tpu.vector_store_idx %arg12[%shift_right_logical3A_12, %broadcast_in_dim3A_212, %and3A_7, %broadcast_in_dim3A_215], %gather3A_220 : memref<4x4x8x128xf32, #tpu.memory_space<vmem>>[vector<16xi32>, vector<16xi32>, vector<16xi32>, vector<16xi32>], vector<16xf32>,
      tpu.vector_store_idx %arg12[%shift_right_logical3A_15, %broadcast_in_dim3A_212, %and3A_10, %broadcast_in_dim3A_215], %gather3A_226 : memref<4x4x8x128xf32, #tpu.memory_space<vmem>>[vector<16xi32>, vector<16xi32>, vector<16xi32>, vector<16xi32>], vector<16xf32>,
      %lt3A = arith.constant 127 : i32
      %lt3A_227 = arith.cmpi slt, %scan3A_183, %lt3A : i32
      %convert_element_type3A = arith.extui %lt3A_227 : i1 to i32
      %cond3A = arith.constant 0 : i32
      %cond3A_228 = arith.cmpi ne, %convert_element_type3A, %cond3A : i32
      scf.if %cond3A_228 {
        %slice3A_562 = vector.extract_strided_slice %get3A_187 {offsets = [4], sizes = [1], strides = [1]} : vector<16xi32> to vector<1xi32>
        %squeeze3A_563 = vector.extract %slice3A_562[0] : i32 from vector<1xi32>
        %shift_right_logical3A_564 = arith.constant 7 : i32
        %shift_right_logical3A_565 = arith.shrui %squeeze3A_563, %shift_right_logical3A_564 : i32
        %mul3A_566 = arith.constant 128 : i32
        %mul3A_567 = arith.muli %shift_right_logical3A_565, %mul3A_566 : i32
        %multiple_of3A_568 = tpu.assume_multiple %mul3A_567, 128 : i32
        %dma_start3A_569 = arith.constant 0 : i32
        %dma_start3A_570 = arith.constant 0 : i32
        %dma_start3A_571 = arith.constant 0 : i32
        %dma_start3A_572 = tpu.memref_slice %arg10[%dma_start3A_569, %dma_start3A_570, %dma_start3A_571] : memref<4x32x128xf32, #tpu.memory_space<vmem>> -> memref<1x32x128xf32, #tpu.memory_space<vmem>>
        %dma_start3A_573 = tpu.memref_squeeze %dma_start3A_572 : memref<1x32x128xf32, #tpu.memory_space<vmem>> -> memref<32x128xf32, #tpu.memory_space<vmem>>
        %dma_start3A_574 = arith.constant 0 : i32
        %dma_start3A_575 = tpu.memref_slice %arg4[%dma_start3A_574, %multiple_of3A_568] : memref<32x1000000xf32, #tpu.memory_space<hbm>> -> memref<32x128xf32, #tpu.memory_space<hbm>>
        %dma_start3A_576 = arith.constant 0 : i32
        %dma_start3A_577 = arith.constant 0 : i32
        %dma_start3A_578 = tpu.memref_slice %arg10[%dma_start3A_569, %dma_start3A_576, %dma_start3A_577] : memref<4x32x128xf32, #tpu.memory_space<vmem>> -> memref<1x32x128xf32, #tpu.memory_space<vmem>>
        %dma_start3A_579 = tpu.memref_squeeze %dma_start3A_578 : memref<1x32x128xf32, #tpu.memory_space<vmem>> -> memref<32x128xf32, #tpu.memory_space<vmem>>
        %dma_start3A_580 = arith.constant 0 : i32
        %dma_start3A_581 = tpu.memref_slice %arg4[%dma_start3A_580, %multiple_of3A_568] : memref<32x1000000xf32, #tpu.memory_space<hbm>> -> memref<32x128xf32, #tpu.memory_space<hbm>>
        tpu.enqueue_dma source(%dma_start3A_581 : memref<32x128xf32, #tpu.memory_space<hbm>>) target(%dma_start3A_579 : memref<32x128xf32, #tpu.memory_space<vmem>>) target_semaphore(%arg14 : memref<!tpu.dma_semaphore, #tpu.memory_space<semaphore_mem>>)
      } else {
      }
      %mul3A_229 = arith.constant 4 : i32
      %mul3A_230 = arith.muli %scan3A_183, %mul3A_229 : i32
      %add3A_231 = arith.constant 1 : i32
      %add3A_232 = arith.addi %mul3A_230, %add3A_231 : i32
      %dma_wait3A_233 = arith.constant 1 : i32
      %dma_wait3A_234 = arith.constant 0 : i32
      %dma_wait3A_235 = arith.constant 0 : i32
      %dma_wait3A_236 = tpu.memref_slice %arg10[%dma_wait3A_233, %dma_wait3A_234, %dma_wait3A_235] : memref<4x32x128xf32, #tpu.memory_space<vmem>> -> memref<1x32x128xf32, #tpu.memory_space<vmem>>
      %dma_wait3A_237 = tpu.memref_squeeze %dma_wait3A_236 : memref<1x32x128xf32, #tpu.memory_space<vmem>> -> memref<32x128xf32, #tpu.memory_space<vmem>>
      %dma_wait3A_238 = arith.constant 0 : i32
      %dma_wait3A_239 = arith.constant 0 : i32
      %dma_wait3A_240 = tpu.memref_slice %arg4[%dma_wait3A_238, %dma_wait3A_239] : memref<32x1000000xf32, #tpu.memory_space<hbm>> -> memref<32x128xf32, #tpu.memory_space<hbm>>
      %dma_wait3A_241 = arith.constant 0 : i32
      %dma_wait3A_242 = arith.constant 0 : i32
      %dma_wait3A_243 = tpu.memref_slice %arg10[%dma_wait3A_233, %dma_wait3A_241, %dma_wait3A_242] : memref<4x32x128xf32, #tpu.memory_space<vmem>> -> memref<1x32x128xf32, #tpu.memory_space<vmem>>
      %dma_wait3A_244 = tpu.memref_squeeze %dma_wait3A_243 : memref<1x32x128xf32, #tpu.memory_space<vmem>> -> memref<32x128xf32, #tpu.memory_space<vmem>>
      %dma_wait3A_245 = arith.constant 0 : i32
      %dma_wait3A_246 = arith.constant 0 : i32
      %dma_wait3A_247 = tpu.memref_slice %arg4[%dma_wait3A_245, %dma_wait3A_246] : memref<32x1000000xf32, #tpu.memory_space<hbm>> -> memref<32x128xf32, #tpu.memory_space<hbm>>
      tpu.wait_dma2 semaphore(%arg15 : memref<!tpu.dma_semaphore, #tpu.memory_space<semaphore_mem>>) src(%dma_wait3A_247 : memref<32x128xf32, #tpu.memory_space<hbm>>) dst(%dma_wait3A_244 : memref<32x128xf32, #tpu.memory_space<vmem>>)
      %slice3A_248 = vector.extract_strided_slice %get3A_187 {offsets = [1], sizes = [1], strides = [1]} : vector<16xi32> to vector<1xi32>
      %squeeze3A_249 = vector.extract %slice3A_248[0] : i32 from vector<1xi32>
      %and3A_250 = arith.constant 127 : i32
      %and3A_251 = arith.andi %squeeze3A_249, %and3A_250 : i32
      %broadcast_in_dim3A_252 = vector.broadcast %and3A_251 : i32 to vector<16xi32>
      %shift_right_logical3A_253 = arith.constant 7 : i32
      %shift_right_logical3A_254 = arith.shrui %add3A_232, %shift_right_logical3A_253 : i32
      %broadcast_in_dim3A_255 = vector.broadcast %shift_right_logical3A_254 : i32 to vector<16xi32>
      %and3A_256 = arith.constant 127 : i32
      %and3A_257 = arith.andi %add3A_232, %and3A_256 : i32
      %broadcast_in_dim3A_258 = vector.broadcast %and3A_257 : i32 to vector<16xi32>
      %gather3A_259 = arith.constant 1 : i32
      %gather3A_260 = arith.constant 0 : i32
      %gather3A_261 = arith.constant 0 : i32
      %gather3A_262 = tpu.memref_slice %arg10[%gather3A_259, %gather3A_260, %gather3A_261] : memref<4x32x128xf32, #tpu.memory_space<vmem>> -> memref<1x32x128xf32, #tpu.memory_space<vmem>>
      %gather3A_263 = tpu.memref_squeeze %gather3A_262 : memref<1x32x128xf32, #tpu.memory_space<vmem>> -> memref<32x128xf32, #tpu.memory_space<vmem>>
      %gather3A_264 = tpu.vector_load_idx %gather3A_263[%iota3A, %broadcast_in_dim3A_252] : memref<32x128xf32, #tpu.memory_space<vmem>>[vector<16xi32>, vector<16xi32>], vector<16xf32>,
      %gather3A_265 = arith.constant 1 : i32
      %gather3A_266 = arith.constant 0 : i32
      %gather3A_267 = arith.constant 0 : i32
      %gather3A_268 = tpu.memref_slice %arg10[%gather3A_265, %gather3A_266, %gather3A_267] : memref<4x32x128xf32, #tpu.memory_space<vmem>> -> memref<1x32x128xf32, #tpu.memory_space<vmem>>
      %gather3A_269 = tpu.memref_squeeze %gather3A_268 : memref<1x32x128xf32, #tpu.memory_space<vmem>> -> memref<32x128xf32, #tpu.memory_space<vmem>>
      %gather3A_270 = tpu.vector_load_idx %gather3A_269[%add3A_5, %broadcast_in_dim3A_252] : memref<32x128xf32, #tpu.memory_space<vmem>>[vector<16xi32>, vector<16xi32>], vector<16xf32>,
      tpu.vector_store_idx %arg12[%shift_right_logical3A_12, %broadcast_in_dim3A_255, %and3A_7, %broadcast_in_dim3A_258], %gather3A_264 : memref<4x4x8x128xf32, #tpu.memory_space<vmem>>[vector<16xi32>, vector<16xi32>, vector<16xi32>, vector<16xi32>], vector<16xf32>,
      tpu.vector_store_idx %arg12[%shift_right_logical3A_15, %broadcast_in_dim3A_255, %and3A_10, %broadcast_in_dim3A_258], %gather3A_270 : memref<4x4x8x128xf32, #tpu.memory_space<vmem>>[vector<16xi32>, vector<16xi32>, vector<16xi32>, vector<16xi32>], vector<16xf32>,
      %lt3A_271 = arith.constant 127 : i32
      %lt3A_272 = arith.cmpi slt, %scan3A_183, %lt3A_271 : i32
      %convert_element_type3A_273 = arith.extui %lt3A_272 : i1 to i32
      %cond3A_274 = arith.constant 0 : i32
      %cond3A_275 = arith.cmpi ne, %convert_element_type3A_273, %cond3A_274 : i32
      scf.if %cond3A_275 {
        %slice3A_562 = vector.extract_strided_slice %get3A_187 {offsets = [5], sizes = [1], strides = [1]} : vector<16xi32> to vector<1xi32>
        %squeeze3A_563 = vector.extract %slice3A_562[0] : i32 from vector<1xi32>
        %shift_right_logical3A_564 = arith.constant 7 : i32
        %shift_right_logical3A_565 = arith.shrui %squeeze3A_563, %shift_right_logical3A_564 : i32
        %mul3A_566 = arith.constant 128 : i32
        %mul3A_567 = arith.muli %shift_right_logical3A_565, %mul3A_566 : i32
        %multiple_of3A_568 = tpu.assume_multiple %mul3A_567, 128 : i32
        %dma_start3A_569 = arith.constant 1 : i32
        %dma_start3A_570 = arith.constant 0 : i32
        %dma_start3A_571 = arith.constant 0 : i32
        %dma_start3A_572 = tpu.memref_slice %arg10[%dma_start3A_569, %dma_start3A_570, %dma_start3A_571] : memref<4x32x128xf32, #tpu.memory_space<vmem>> -> memref<1x32x128xf32, #tpu.memory_space<vmem>>
        %dma_start3A_573 = tpu.memref_squeeze %dma_start3A_572 : memref<1x32x128xf32, #tpu.memory_space<vmem>> -> memref<32x128xf32, #tpu.memory_space<vmem>>
        %dma_start3A_574 = arith.constant 0 : i32
        %dma_start3A_575 = tpu.memref_slice %arg4[%dma_start3A_574, %multiple_of3A_568] : memref<32x1000000xf32, #tpu.memory_space<hbm>> -> memref<32x128xf32, #tpu.memory_space<hbm>>
        %dma_start3A_576 = arith.constant 0 : i32
        %dma_start3A_577 = arith.constant 0 : i32
        %dma_start3A_578 = tpu.memref_slice %arg10[%dma_start3A_569, %dma_start3A_576, %dma_start3A_577] : memref<4x32x128xf32, #tpu.memory_space<vmem>> -> memref<1x32x128xf32, #tpu.memory_space<vmem>>
        %dma_start3A_579 = tpu.memref_squeeze %dma_start3A_578 : memref<1x32x128xf32, #tpu.memory_space<vmem>> -> memref<32x128xf32, #tpu.memory_space<vmem>>
        %dma_start3A_580 = arith.constant 0 : i32
        %dma_start3A_581 = tpu.memref_slice %arg4[%dma_start3A_580, %multiple_of3A_568] : memref<32x1000000xf32, #tpu.memory_space<hbm>> -> memref<32x128xf32, #tpu.memory_space<hbm>>
        tpu.enqueue_dma source(%dma_start3A_581 : memref<32x128xf32, #tpu.memory_space<hbm>>) target(%dma_start3A_579 : memref<32x128xf32, #tpu.memory_space<vmem>>) target_semaphore(%arg15 : memref<!tpu.dma_semaphore, #tpu.memory_space<semaphore_mem>>)
      } else {
      }
      %mul3A_276 = arith.constant 4 : i32
      %mul3A_277 = arith.muli %scan3A_183, %mul3A_276 : i32
      %add3A_278 = arith.constant 2 : i32
      %add3A_279 = arith.addi %mul3A_277, %add3A_278 : i32
      %dma_wait3A_280 = arith.constant 2 : i32
      %dma_wait3A_281 = arith.constant 0 : i32
      %dma_wait3A_282 = arith.constant 0 : i32
      %dma_wait3A_283 = tpu.memref_slice %arg10[%dma_wait3A_280, %dma_wait3A_281, %dma_wait3A_282] : memref<4x32x128xf32, #tpu.memory_space<vmem>> -> memref<1x32x128xf32, #tpu.memory_space<vmem>>
      %dma_wait3A_284 = tpu.memref_squeeze %dma_wait3A_283 : memref<1x32x128xf32, #tpu.memory_space<vmem>> -> memref<32x128xf32, #tpu.memory_space<vmem>>
      %dma_wait3A_285 = arith.constant 0 : i32
      %dma_wait3A_286 = arith.constant 0 : i32
      %dma_wait3A_287 = tpu.memref_slice %arg4[%dma_wait3A_285, %dma_wait3A_286] : memref<32x1000000xf32, #tpu.memory_space<hbm>> -> memref<32x128xf32, #tpu.memory_space<hbm>>
      %dma_wait3A_288 = arith.constant 0 : i32
      %dma_wait3A_289 = arith.constant 0 : i32
      %dma_wait3A_290 = tpu.memref_slice %arg10[%dma_wait3A_280, %dma_wait3A_288, %dma_wait3A_289] : memref<4x32x128xf32, #tpu.memory_space<vmem>> -> memref<1x32x128xf32, #tpu.memory_space<vmem>>
      %dma_wait3A_291 = tpu.memref_squeeze %dma_wait3A_290 : memref<1x32x128xf32, #tpu.memory_space<vmem>> -> memref<32x128xf32, #tpu.memory_space<vmem>>
      %dma_wait3A_292 = arith.constant 0 : i32
      %dma_wait3A_293 = arith.constant 0 : i32
      %dma_wait3A_294 = tpu.memref_slice %arg4[%dma_wait3A_292, %dma_wait3A_293] : memref<32x1000000xf32, #tpu.memory_space<hbm>> -> memref<32x128xf32, #tpu.memory_space<hbm>>
      tpu.wait_dma2 semaphore(%arg16 : memref<!tpu.dma_semaphore, #tpu.memory_space<semaphore_mem>>) src(%dma_wait3A_294 : memref<32x128xf32, #tpu.memory_space<hbm>>) dst(%dma_wait3A_291 : memref<32x128xf32, #tpu.memory_space<vmem>>)
      %slice3A_295 = vector.extract_strided_slice %get3A_187 {offsets = [2], sizes = [1], strides = [1]} : vector<16xi32> to vector<1xi32>
      %squeeze3A_296 = vector.extract %slice3A_295[0] : i32 from vector<1xi32>
      %and3A_297 = arith.constant 127 : i32
      %and3A_298 = arith.andi %squeeze3A_296, %and3A_297 : i32
      %broadcast_in_dim3A_299 = vector.broadcast %and3A_298 : i32 to vector<16xi32>
      %shift_right_logical3A_300 = arith.constant 7 : i32
      %shift_right_logical3A_301 = arith.shrui %add3A_279, %shift_right_logical3A_300 : i32
      %broadcast_in_dim3A_302 = vector.broadcast %shift_right_logical3A_301 : i32 to vector<16xi32>
      %and3A_303 = arith.constant 127 : i32
      %and3A_304 = arith.andi %add3A_279, %and3A_303 : i32
      %broadcast_in_dim3A_305 = vector.broadcast %and3A_304 : i32 to vector<16xi32>
      %gather3A_306 = arith.constant 2 : i32
      %gather3A_307 = arith.constant 0 : i32
      %gather3A_308 = arith.constant 0 : i32
      %gather3A_309 = tpu.memref_slice %arg10[%gather3A_306, %gather3A_307, %gather3A_308] : memref<4x32x128xf32, #tpu.memory_space<vmem>> -> memref<1x32x128xf32, #tpu.memory_space<vmem>>
      %gather3A_310 = tpu.memref_squeeze %gather3A_309 : memref<1x32x128xf32, #tpu.memory_space<vmem>> -> memref<32x128xf32, #tpu.memory_space<vmem>>
      %gather3A_311 = tpu.vector_load_idx %gather3A_310[%iota3A, %broadcast_in_dim3A_299] : memref<32x128xf32, #tpu.memory_space<vmem>>[vector<16xi32>, vector<16xi32>], vector<16xf32>,
      %gather3A_312 = arith.constant 2 : i32
      %gather3A_313 = arith.constant 0 : i32
      %gather3A_314 = arith.constant 0 : i32
      %gather3A_315 = tpu.memref_slice %arg10[%gather3A_312, %gather3A_313, %gather3A_314] : memref<4x32x128xf32, #tpu.memory_space<vmem>> -> memref<1x32x128xf32, #tpu.memory_space<vmem>>
      %gather3A_316 = tpu.memref_squeeze %gather3A_315 : memref<1x32x128xf32, #tpu.memory_space<vmem>> -> memref<32x128xf32, #tpu.memory_space<vmem>>
      %gather3A_317 = tpu.vector_load_idx %gather3A_316[%add3A_5, %broadcast_in_dim3A_299] : memref<32x128xf32, #tpu.memory_space<vmem>>[vector<16xi32>, vector<16xi32>], vector<16xf32>,
      tpu.vector_store_idx %arg12[%shift_right_logical3A_12, %broadcast_in_dim3A_302, %and3A_7, %broadcast_in_dim3A_305], %gather3A_311 : memref<4x4x8x128xf32, #tpu.memory_space<vmem>>[vector<16xi32>, vector<16xi32>, vector<16xi32>, vector<16xi32>], vector<16xf32>,
      tpu.vector_store_idx %arg12[%shift_right_logical3A_15, %broadcast_in_dim3A_302, %and3A_10, %broadcast_in_dim3A_305], %gather3A_317 : memref<4x4x8x128xf32, #tpu.memory_space<vmem>>[vector<16xi32>, vector<16xi32>, vector<16xi32>, vector<16xi32>], vector<16xf32>,
      %lt3A_318 = arith.constant 127 : i32
      %lt3A_319 = arith.cmpi slt, %scan3A_183, %lt3A_318 : i32
      %convert_element_type3A_320 = arith.extui %lt3A_319 : i1 to i32
      %cond3A_321 = arith.constant 0 : i32
      %cond3A_322 = arith.cmpi ne, %convert_element_type3A_320, %cond3A_321 : i32
      scf.if %cond3A_322 {
        %slice3A_562 = vector.extract_strided_slice %get3A_187 {offsets = [6], sizes = [1], strides = [1]} : vector<16xi32> to vector<1xi32>
        %squeeze3A_563 = vector.extract %slice3A_562[0] : i32 from vector<1xi32>
        %shift_right_logical3A_564 = arith.constant 7 : i32
        %shift_right_logical3A_565 = arith.shrui %squeeze3A_563, %shift_right_logical3A_564 : i32
        %mul3A_566 = arith.constant 128 : i32
        %mul3A_567 = arith.muli %shift_right_logical3A_565, %mul3A_566 : i32
        %multiple_of3A_568 = tpu.assume_multiple %mul3A_567, 128 : i32
        %dma_start3A_569 = arith.constant 2 : i32
        %dma_start3A_570 = arith.constant 0 : i32
        %dma_start3A_571 = arith.constant 0 : i32
        %dma_start3A_572 = tpu.memref_slice %arg10[%dma_start3A_569, %dma_start3A_570, %dma_start3A_571] : memref<4x32x128xf32, #tpu.memory_space<vmem>> -> memref<1x32x128xf32, #tpu.memory_space<vmem>>
        %dma_start3A_573 = tpu.memref_squeeze %dma_start3A_572 : memref<1x32x128xf32, #tpu.memory_space<vmem>> -> memref<32x128xf32, #tpu.memory_space<vmem>>
        %dma_start3A_574 = arith.constant 0 : i32
        %dma_start3A_575 = tpu.memref_slice %arg4[%dma_start3A_574, %multiple_of3A_568] : memref<32x1000000xf32, #tpu.memory_space<hbm>> -> memref<32x128xf32, #tpu.memory_space<hbm>>
        %dma_start3A_576 = arith.constant 0 : i32
        %dma_start3A_577 = arith.constant 0 : i32
        %dma_start3A_578 = tpu.memref_slice %arg10[%dma_start3A_569, %dma_start3A_576, %dma_start3A_577] : memref<4x32x128xf32, #tpu.memory_space<vmem>> -> memref<1x32x128xf32, #tpu.memory_space<vmem>>
        %dma_start3A_579 = tpu.memref_squeeze %dma_start3A_578 : memref<1x32x128xf32, #tpu.memory_space<vmem>> -> memref<32x128xf32, #tpu.memory_space<vmem>>
        %dma_start3A_580 = arith.constant 0 : i32
        %dma_start3A_581 = tpu.memref_slice %arg4[%dma_start3A_580, %multiple_of3A_568] : memref<32x1000000xf32, #tpu.memory_space<hbm>> -> memref<32x128xf32, #tpu.memory_space<hbm>>
        tpu.enqueue_dma source(%dma_start3A_581 : memref<32x128xf32, #tpu.memory_space<hbm>>) target(%dma_start3A_579 : memref<32x128xf32, #tpu.memory_space<vmem>>) target_semaphore(%arg16 : memref<!tpu.dma_semaphore, #tpu.memory_space<semaphore_mem>>)
      } else {
      }
      %mul3A_323 = arith.constant 4 : i32
      %mul3A_324 = arith.muli %scan3A_183, %mul3A_323 : i32
      %add3A_325 = arith.constant 3 : i32
      %add3A_326 = arith.addi %mul3A_324, %add3A_325 : i32
      %dma_wait3A_327 = arith.constant 3 : i32
      %dma_wait3A_328 = arith.constant 0 : i32
      %dma_wait3A_329 = arith.constant 0 : i32
      %dma_wait3A_330 = tpu.memref_slice %arg10[%dma_wait3A_327, %dma_wait3A_328, %dma_wait3A_329] : memref<4x32x128xf32, #tpu.memory_space<vmem>> -> memref<1x32x128xf32, #tpu.memory_space<vmem>>
      %dma_wait3A_331 = tpu.memref_squeeze %dma_wait3A_330 : memref<1x32x128xf32, #tpu.memory_space<vmem>> -> memref<32x128xf32, #tpu.memory_space<vmem>>
      %dma_wait3A_332 = arith.constant 0 : i32
      %dma_wait3A_333 = arith.constant 0 : i32
      %dma_wait3A_334 = tpu.memref_slice %arg4[%dma_wait3A_332, %dma_wait3A_333] : memref<32x1000000xf32, #tpu.memory_space<hbm>> -> memref<32x128xf32, #tpu.memory_space<hbm>>
      %dma_wait3A_335 = arith.constant 0 : i32
      %dma_wait3A_336 = arith.constant 0 : i32
      %dma_wait3A_337 = tpu.memref_slice %arg10[%dma_wait3A_327, %dma_wait3A_335, %dma_wait3A_336] : memref<4x32x128xf32, #tpu.memory_space<vmem>> -> memref<1x32x128xf32, #tpu.memory_space<vmem>>
      %dma_wait3A_338 = tpu.memref_squeeze %dma_wait3A_337 : memref<1x32x128xf32, #tpu.memory_space<vmem>> -> memref<32x128xf32, #tpu.memory_space<vmem>>
      %dma_wait3A_339 = arith.constant 0 : i32
      %dma_wait3A_340 = arith.constant 0 : i32
      %dma_wait3A_341 = tpu.memref_slice %arg4[%dma_wait3A_339, %dma_wait3A_340] : memref<32x1000000xf32, #tpu.memory_space<hbm>> -> memref<32x128xf32, #tpu.memory_space<hbm>>
      tpu.wait_dma2 semaphore(%arg17 : memref<!tpu.dma_semaphore, #tpu.memory_space<semaphore_mem>>) src(%dma_wait3A_341 : memref<32x128xf32, #tpu.memory_space<hbm>>) dst(%dma_wait3A_338 : memref<32x128xf32, #tpu.memory_space<vmem>>)
      %slice3A_342 = vector.extract_strided_slice %get3A_187 {offsets = [3], sizes = [1], strides = [1]} : vector<16xi32> to vector<1xi32>
      %squeeze3A_343 = vector.extract %slice3A_342[0] : i32 from vector<1xi32>
      %and3A_344 = arith.constant 127 : i32
      %and3A_345 = arith.andi %squeeze3A_343, %and3A_344 : i32
      %broadcast_in_dim3A_346 = vector.broadcast %and3A_345 : i32 to vector<16xi32>
      %shift_right_logical3A_347 = arith.constant 7 : i32
      %shift_right_logical3A_348 = arith.shrui %add3A_326, %shift_right_logical3A_347 : i32
      %broadcast_in_dim3A_349 = vector.broadcast %shift_right_logical3A_348 : i32 to vector<16xi32>
      %and3A_350 = arith.constant 127 : i32
      %and3A_351 = arith.andi %add3A_326, %and3A_350 : i32
      %broadcast_in_dim3A_352 = vector.broadcast %and3A_351 : i32 to vector<16xi32>
      %gather3A_353 = arith.constant 3 : i32
      %gather3A_354 = arith.constant 0 : i32
      %gather3A_355 = arith.constant 0 : i32
      %gather3A_356 = tpu.memref_slice %arg10[%gather3A_353, %gather3A_354, %gather3A_355] : memref<4x32x128xf32, #tpu.memory_space<vmem>> -> memref<1x32x128xf32, #tpu.memory_space<vmem>>
      %gather3A_357 = tpu.memref_squeeze %gather3A_356 : memref<1x32x128xf32, #tpu.memory_space<vmem>> -> memref<32x128xf32, #tpu.memory_space<vmem>>
      %gather3A_358 = tpu.vector_load_idx %gather3A_357[%iota3A, %broadcast_in_dim3A_346] : memref<32x128xf32, #tpu.memory_space<vmem>>[vector<16xi32>, vector<16xi32>], vector<16xf32>,
      %gather3A_359 = arith.constant 3 : i32
      %gather3A_360 = arith.constant 0 : i32
      %gather3A_361 = arith.constant 0 : i32
      %gather3A_362 = tpu.memref_slice %arg10[%gather3A_359, %gather3A_360, %gather3A_361] : memref<4x32x128xf32, #tpu.memory_space<vmem>> -> memref<1x32x128xf32, #tpu.memory_space<vmem>>
      %gather3A_363 = tpu.memref_squeeze %gather3A_362 : memref<1x32x128xf32, #tpu.memory_space<vmem>> -> memref<32x128xf32, #tpu.memory_space<vmem>>
      %gather3A_364 = tpu.vector_load_idx %gather3A_363[%add3A_5, %broadcast_in_dim3A_346] : memref<32x128xf32, #tpu.memory_space<vmem>>[vector<16xi32>, vector<16xi32>], vector<16xf32>,
      tpu.vector_store_idx %arg12[%shift_right_logical3A_12, %broadcast_in_dim3A_349, %and3A_7, %broadcast_in_dim3A_352], %gather3A_358 : memref<4x4x8x128xf32, #tpu.memory_space<vmem>>[vector<16xi32>, vector<16xi32>, vector<16xi32>, vector<16xi32>], vector<16xf32>,
      tpu.vector_store_idx %arg12[%shift_right_logical3A_15, %broadcast_in_dim3A_349, %and3A_10, %broadcast_in_dim3A_352], %gather3A_364 : memref<4x4x8x128xf32, #tpu.memory_space<vmem>>[vector<16xi32>, vector<16xi32>, vector<16xi32>, vector<16xi32>], vector<16xf32>,
      %lt3A_365 = arith.constant 127 : i32
      %lt3A_366 = arith.cmpi slt, %scan3A_183, %lt3A_365 : i32
      %convert_element_type3A_367 = arith.extui %lt3A_366 : i1 to i32
      %cond3A_368 = arith.constant 0 : i32
      %cond3A_369 = arith.cmpi ne, %convert_element_type3A_367, %cond3A_368 : i32
      scf.if %cond3A_369 {
        %slice3A_562 = vector.extract_strided_slice %get3A_187 {offsets = [7], sizes = [1], strides = [1]} : vector<16xi32> to vector<1xi32>
        %squeeze3A_563 = vector.extract %slice3A_562[0] : i32 from vector<1xi32>
        %shift_right_logical3A_564 = arith.constant 7 : i32
        %shift_right_logical3A_565 = arith.shrui %squeeze3A_563, %shift_right_logical3A_564 : i32
        %mul3A_566 = arith.constant 128 : i32
        %mul3A_567 = arith.muli %shift_right_logical3A_565, %mul3A_566 : i32
        %multiple_of3A_568 = tpu.assume_multiple %mul3A_567, 128 : i32
        %dma_start3A_569 = arith.constant 3 : i32
        %dma_start3A_570 = arith.constant 0 : i32
        %dma_start3A_571 = arith.constant 0 : i32
        %dma_start3A_572 = tpu.memref_slice %arg10[%dma_start3A_569, %dma_start3A_570, %dma_start3A_571] : memref<4x32x128xf32, #tpu.memory_space<vmem>> -> memref<1x32x128xf32, #tpu.memory_space<vmem>>
        %dma_start3A_573 = tpu.memref_squeeze %dma_start3A_572 : memref<1x32x128xf32, #tpu.memory_space<vmem>> -> memref<32x128xf32, #tpu.memory_space<vmem>>
        %dma_start3A_574 = arith.constant 0 : i32
        %dma_start3A_575 = tpu.memref_slice %arg4[%dma_start3A_574, %multiple_of3A_568] : memref<32x1000000xf32, #tpu.memory_space<hbm>> -> memref<32x128xf32, #tpu.memory_space<hbm>>
        %dma_start3A_576 = arith.constant 0 : i32
        %dma_start3A_577 = arith.constant 0 : i32
        %dma_start3A_578 = tpu.memref_slice %arg10[%dma_start3A_569, %dma_start3A_576, %dma_start3A_577] : memref<4x32x128xf32, #tpu.memory_space<vmem>> -> memref<1x32x128xf32, #tpu.memory_space<vmem>>
        %dma_start3A_579 = tpu.memref_squeeze %dma_start3A_578 : memref<1x32x128xf32, #tpu.memory_space<vmem>> -> memref<32x128xf32, #tpu.memory_space<vmem>>
        %dma_start3A_580 = arith.constant 0 : i32
        %dma_start3A_581 = tpu.memref_slice %arg4[%dma_start3A_580, %multiple_of3A_568] : memref<32x1000000xf32, #tpu.memory_space<hbm>> -> memref<32x128xf32, #tpu.memory_space<hbm>>
        tpu.enqueue_dma source(%dma_start3A_581 : memref<32x128xf32, #tpu.memory_space<hbm>>) target(%dma_start3A_579 : memref<32x128xf32, #tpu.memory_space<vmem>>) target_semaphore(%arg17 : memref<!tpu.dma_semaphore, #tpu.memory_space<semaphore_mem>>)
      } else {
      }
      %mul3A_370 = arith.constant 4 : i32
      %mul3A_371 = arith.muli %scan3A_183, %mul3A_370 : i32
      %get3A_372 = arith.index_cast %mul3A_371 : i32 to index
      %get3A_373 = tpu.vector_load %arg9[%get3A_372] {strides = array<i32>} : memref<528xi32, #tpu.memory_space<vmem>>, vector<16xi32>,
      %mul3A_374 = arith.constant 4 : i32
      %mul3A_375 = arith.muli %scan3A_183, %mul3A_374 : i32
      %add3A_376 = arith.constant 0 : i32
      %add3A_377 = arith.addi %mul3A_375, %add3A_376 : i32
      %dma_wait3A_378 = arith.constant 0 : i32
      %dma_wait3A_379 = arith.constant 0 : i32
      %dma_wait3A_380 = arith.constant 0 : i32
      %dma_wait3A_381 = tpu.memref_slice %arg11[%dma_wait3A_378, %dma_wait3A_379, %dma_wait3A_380] : memref<4x32x128xf32, #tpu.memory_space<vmem>> -> memref<1x32x128xf32, #tpu.memory_space<vmem>>
      %dma_wait3A_382 = tpu.memref_squeeze %dma_wait3A_381 : memref<1x32x128xf32, #tpu.memory_space<vmem>> -> memref<32x128xf32, #tpu.memory_space<vmem>>
      %dma_wait3A_383 = arith.constant 0 : i32
      %dma_wait3A_384 = arith.constant 0 : i32
      %dma_wait3A_385 = tpu.memref_slice %arg5[%dma_wait3A_383, %dma_wait3A_384] : memref<32x1000000xf32, #tpu.memory_space<hbm>> -> memref<32x128xf32, #tpu.memory_space<hbm>>
      %dma_wait3A_386 = arith.constant 0 : i32
      %dma_wait3A_387 = arith.constant 0 : i32
      %dma_wait3A_388 = tpu.memref_slice %arg11[%dma_wait3A_378, %dma_wait3A_386, %dma_wait3A_387] : memref<4x32x128xf32, #tpu.memory_space<vmem>> -> memref<1x32x128xf32, #tpu.memory_space<vmem>>
      %dma_wait3A_389 = tpu.memref_squeeze %dma_wait3A_388 : memref<1x32x128xf32, #tpu.memory_space<vmem>> -> memref<32x128xf32, #tpu.memory_space<vmem>>
      %dma_wait3A_390 = arith.constant 0 : i32
      %dma_wait3A_391 = arith.constant 0 : i32
      %dma_wait3A_392 = tpu.memref_slice %arg5[%dma_wait3A_390, %dma_wait3A_391] : memref<32x1000000xf32, #tpu.memory_space<hbm>> -> memref<32x128xf32, #tpu.memory_space<hbm>>
      tpu.wait_dma2 semaphore(%arg18 : memref<!tpu.dma_semaphore, #tpu.memory_space<semaphore_mem>>) src(%dma_wait3A_392 : memref<32x128xf32, #tpu.memory_space<hbm>>) dst(%dma_wait3A_389 : memref<32x128xf32, #tpu.memory_space<vmem>>)
      %slice3A_393 = vector.extract_strided_slice %get3A_373 {offsets = [0], sizes = [1], strides = [1]} : vector<16xi32> to vector<1xi32>
      %squeeze3A_394 = vector.extract %slice3A_393[0] : i32 from vector<1xi32>
      %and3A_395 = arith.constant 127 : i32
      %and3A_396 = arith.andi %squeeze3A_394, %and3A_395 : i32
      %broadcast_in_dim3A_397 = vector.broadcast %and3A_396 : i32 to vector<16xi32>
      %shift_right_logical3A_398 = arith.constant 7 : i32
      %shift_right_logical3A_399 = arith.shrui %add3A_377, %shift_right_logical3A_398 : i32
      %broadcast_in_dim3A_400 = vector.broadcast %shift_right_logical3A_399 : i32 to vector<16xi32>
      %and3A_401 = arith.constant 127 : i32
      %and3A_402 = arith.andi %add3A_377, %and3A_401 : i32
      %broadcast_in_dim3A_403 = vector.broadcast %and3A_402 : i32 to vector<16xi32>
      %gather3A_404 = arith.constant 0 : i32
      %gather3A_405 = arith.constant 0 : i32
      %gather3A_406 = arith.constant 0 : i32
      %gather3A_407 = tpu.memref_slice %arg11[%gather3A_404, %gather3A_405, %gather3A_406] : memref<4x32x128xf32, #tpu.memory_space<vmem>> -> memref<1x32x128xf32, #tpu.memory_space<vmem>>
      %gather3A_408 = tpu.memref_squeeze %gather3A_407 : memref<1x32x128xf32, #tpu.memory_space<vmem>> -> memref<32x128xf32, #tpu.memory_space<vmem>>
      %gather3A_409 = tpu.vector_load_idx %gather3A_408[%iota3A, %broadcast_in_dim3A_397] : memref<32x128xf32, #tpu.memory_space<vmem>>[vector<16xi32>, vector<16xi32>], vector<16xf32>,
      %gather3A_410 = arith.constant 0 : i32
      %gather3A_411 = arith.constant 0 : i32
      %gather3A_412 = arith.constant 0 : i32
      %gather3A_413 = tpu.memref_slice %arg11[%gather3A_410, %gather3A_411, %gather3A_412] : memref<4x32x128xf32, #tpu.memory_space<vmem>> -> memref<1x32x128xf32, #tpu.memory_space<vmem>>
      %gather3A_414 = tpu.memref_squeeze %gather3A_413 : memref<1x32x128xf32, #tpu.memory_space<vmem>> -> memref<32x128xf32, #tpu.memory_space<vmem>>
      %gather3A_415 = tpu.vector_load_idx %gather3A_414[%add3A_5, %broadcast_in_dim3A_397] : memref<32x128xf32, #tpu.memory_space<vmem>>[vector<16xi32>, vector<16xi32>], vector<16xf32>,
      tpu.vector_store_idx %arg13[%shift_right_logical3A_12, %broadcast_in_dim3A_400, %and3A_7, %broadcast_in_dim3A_403], %gather3A_409 : memref<4x4x8x128xf32, #tpu.memory_space<vmem>>[vector<16xi32>, vector<16xi32>, vector<16xi32>, vector<16xi32>], vector<16xf32>,
      tpu.vector_store_idx %arg13[%shift_right_logical3A_15, %broadcast_in_dim3A_400, %and3A_10, %broadcast_in_dim3A_403], %gather3A_415 : memref<4x4x8x128xf32, #tpu.memory_space<vmem>>[vector<16xi32>, vector<16xi32>, vector<16xi32>, vector<16xi32>], vector<16xf32>,
      %lt3A_416 = arith.constant 127 : i32
      %lt3A_417 = arith.cmpi slt, %scan3A_183, %lt3A_416 : i32
      %convert_element_type3A_418 = arith.extui %lt3A_417 : i1 to i32
      %cond3A_419 = arith.constant 0 : i32
      %cond3A_420 = arith.cmpi ne, %convert_element_type3A_418, %cond3A_419 : i32
      scf.if %cond3A_420 {
        %slice3A_562 = vector.extract_strided_slice %get3A_373 {offsets = [4], sizes = [1], strides = [1]} : vector<16xi32> to vector<1xi32>
        %squeeze3A_563 = vector.extract %slice3A_562[0] : i32 from vector<1xi32>
        %shift_right_logical3A_564 = arith.constant 7 : i32
        %shift_right_logical3A_565 = arith.shrui %squeeze3A_563, %shift_right_logical3A_564 : i32
        %mul3A_566 = arith.constant 128 : i32
        %mul3A_567 = arith.muli %shift_right_logical3A_565, %mul3A_566 : i32
        %multiple_of3A_568 = tpu.assume_multiple %mul3A_567, 128 : i32
        %dma_start3A_569 = arith.constant 0 : i32
        %dma_start3A_570 = arith.constant 0 : i32
        %dma_start3A_571 = arith.constant 0 : i32
        %dma_start3A_572 = tpu.memref_slice %arg11[%dma_start3A_569, %dma_start3A_570, %dma_start3A_571] : memref<4x32x128xf32, #tpu.memory_space<vmem>> -> memref<1x32x128xf32, #tpu.memory_space<vmem>>
        %dma_start3A_573 = tpu.memref_squeeze %dma_start3A_572 : memref<1x32x128xf32, #tpu.memory_space<vmem>> -> memref<32x128xf32, #tpu.memory_space<vmem>>
        %dma_start3A_574 = arith.constant 0 : i32
        %dma_start3A_575 = tpu.memref_slice %arg5[%dma_start3A_574, %multiple_of3A_568] : memref<32x1000000xf32, #tpu.memory_space<hbm>> -> memref<32x128xf32, #tpu.memory_space<hbm>>
        %dma_start3A_576 = arith.constant 0 : i32
        %dma_start3A_577 = arith.constant 0 : i32
        %dma_start3A_578 = tpu.memref_slice %arg11[%dma_start3A_569, %dma_start3A_576, %dma_start3A_577] : memref<4x32x128xf32, #tpu.memory_space<vmem>> -> memref<1x32x128xf32, #tpu.memory_space<vmem>>
        %dma_start3A_579 = tpu.memref_squeeze %dma_start3A_578 : memref<1x32x128xf32, #tpu.memory_space<vmem>> -> memref<32x128xf32, #tpu.memory_space<vmem>>
        %dma_start3A_580 = arith.constant 0 : i32
        %dma_start3A_581 = tpu.memref_slice %arg5[%dma_start3A_580, %multiple_of3A_568] : memref<32x1000000xf32, #tpu.memory_space<hbm>> -> memref<32x128xf32, #tpu.memory_space<hbm>>
        tpu.enqueue_dma source(%dma_start3A_581 : memref<32x128xf32, #tpu.memory_space<hbm>>) target(%dma_start3A_579 : memref<32x128xf32, #tpu.memory_space<vmem>>) target_semaphore(%arg18 : memref<!tpu.dma_semaphore, #tpu.memory_space<semaphore_mem>>)
      } else {
      }
      %mul3A_421 = arith.constant 4 : i32
      %mul3A_422 = arith.muli %scan3A_183, %mul3A_421 : i32
      %add3A_423 = arith.constant 1 : i32
      %add3A_424 = arith.addi %mul3A_422, %add3A_423 : i32
      %dma_wait3A_425 = arith.constant 1 : i32
      %dma_wait3A_426 = arith.constant 0 : i32
      %dma_wait3A_427 = arith.constant 0 : i32
      %dma_wait3A_428 = tpu.memref_slice %arg11[%dma_wait3A_425, %dma_wait3A_426, %dma_wait3A_427] : memref<4x32x128xf32, #tpu.memory_space<vmem>> -> memref<1x32x128xf32, #tpu.memory_space<vmem>>
      %dma_wait3A_429 = tpu.memref_squeeze %dma_wait3A_428 : memref<1x32x128xf32, #tpu.memory_space<vmem>> -> memref<32x128xf32, #tpu.memory_space<vmem>>
      %dma_wait3A_430 = arith.constant 0 : i32
      %dma_wait3A_431 = arith.constant 0 : i32
      %dma_wait3A_432 = tpu.memref_slice %arg5[%dma_wait3A_430, %dma_wait3A_431] : memref<32x1000000xf32, #tpu.memory_space<hbm>> -> memref<32x128xf32, #tpu.memory_space<hbm>>
      %dma_wait3A_433 = arith.constant 0 : i32
      %dma_wait3A_434 = arith.constant 0 : i32
      %dma_wait3A_435 = tpu.memref_slice %arg11[%dma_wait3A_425, %dma_wait3A_433, %dma_wait3A_434] : memref<4x32x128xf32, #tpu.memory_space<vmem>> -> memref<1x32x128xf32, #tpu.memory_space<vmem>>
      %dma_wait3A_436 = tpu.memref_squeeze %dma_wait3A_435 : memref<1x32x128xf32, #tpu.memory_space<vmem>> -> memref<32x128xf32, #tpu.memory_space<vmem>>
      %dma_wait3A_437 = arith.constant 0 : i32
      %dma_wait3A_438 = arith.constant 0 : i32
      %dma_wait3A_439 = tpu.memref_slice %arg5[%dma_wait3A_437, %dma_wait3A_438] : memref<32x1000000xf32, #tpu.memory_space<hbm>> -> memref<32x128xf32, #tpu.memory_space<hbm>>
      tpu.wait_dma2 semaphore(%arg19 : memref<!tpu.dma_semaphore, #tpu.memory_space<semaphore_mem>>) src(%dma_wait3A_439 : memref<32x128xf32, #tpu.memory_space<hbm>>) dst(%dma_wait3A_436 : memref<32x128xf32, #tpu.memory_space<vmem>>)
      %slice3A_440 = vector.extract_strided_slice %get3A_373 {offsets = [1], sizes = [1], strides = [1]} : vector<16xi32> to vector<1xi32>
      %squeeze3A_441 = vector.extract %slice3A_440[0] : i32 from vector<1xi32>
      %and3A_442 = arith.constant 127 : i32
      %and3A_443 = arith.andi %squeeze3A_441, %and3A_442 : i32
      %broadcast_in_dim3A_444 = vector.broadcast %and3A_443 : i32 to vector<16xi32>
      %shift_right_logical3A_445 = arith.constant 7 : i32
      %shift_right_logical3A_446 = arith.shrui %add3A_424, %shift_right_logical3A_445 : i32
      %broadcast_in_dim3A_447 = vector.broadcast %shift_right_logical3A_446 : i32 to vector<16xi32>
      %and3A_448 = arith.constant 127 : i32
      %and3A_449 = arith.andi %add3A_424, %and3A_448 : i32
      %broadcast_in_dim3A_450 = vector.broadcast %and3A_449 : i32 to vector<16xi32>
      %gather3A_451 = arith.constant 1 : i32
      %gather3A_452 = arith.constant 0 : i32
      %gather3A_453 = arith.constant 0 : i32
      %gather3A_454 = tpu.memref_slice %arg11[%gather3A_451, %gather3A_452, %gather3A_453] : memref<4x32x128xf32, #tpu.memory_space<vmem>> -> memref<1x32x128xf32, #tpu.memory_space<vmem>>
      %gather3A_455 = tpu.memref_squeeze %gather3A_454 : memref<1x32x128xf32, #tpu.memory_space<vmem>> -> memref<32x128xf32, #tpu.memory_space<vmem>>
      %gather3A_456 = tpu.vector_load_idx %gather3A_455[%iota3A, %broadcast_in_dim3A_444] : memref<32x128xf32, #tpu.memory_space<vmem>>[vector<16xi32>, vector<16xi32>], vector<16xf32>,
      %gather3A_457 = arith.constant 1 : i32
      %gather3A_458 = arith.constant 0 : i32
      %gather3A_459 = arith.constant 0 : i32
      %gather3A_460 = tpu.memref_slice %arg11[%gather3A_457, %gather3A_458, %gather3A_459] : memref<4x32x128xf32, #tpu.memory_space<vmem>> -> memref<1x32x128xf32, #tpu.memory_space<vmem>>
      %gather3A_461 = tpu.memref_squeeze %gather3A_460 : memref<1x32x128xf32, #tpu.memory_space<vmem>> -> memref<32x128xf32, #tpu.memory_space<vmem>>
      %gather3A_462 = tpu.vector_load_idx %gather3A_461[%add3A_5, %broadcast_in_dim3A_444] : memref<32x128xf32, #tpu.memory_space<vmem>>[vector<16xi32>, vector<16xi32>], vector<16xf32>,
      tpu.vector_store_idx %arg13[%shift_right_logical3A_12, %broadcast_in_dim3A_447, %and3A_7, %broadcast_in_dim3A_450], %gather3A_456 : memref<4x4x8x128xf32, #tpu.memory_space<vmem>>[vector<16xi32>, vector<16xi32>, vector<16xi32>, vector<16xi32>], vector<16xf32>,
      tpu.vector_store_idx %arg13[%shift_right_logical3A_15, %broadcast_in_dim3A_447, %and3A_10, %broadcast_in_dim3A_450], %gather3A_462 : memref<4x4x8x128xf32, #tpu.memory_space<vmem>>[vector<16xi32>, vector<16xi32>, vector<16xi32>, vector<16xi32>], vector<16xf32>,
      %lt3A_463 = arith.constant 127 : i32
      %lt3A_464 = arith.cmpi slt, %scan3A_183, %lt3A_463 : i32
      %convert_element_type3A_465 = arith.extui %lt3A_464 : i1 to i32
      %cond3A_466 = arith.constant 0 : i32
      %cond3A_467 = arith.cmpi ne, %convert_element_type3A_465, %cond3A_466 : i32
      scf.if %cond3A_467 {
        %slice3A_562 = vector.extract_strided_slice %get3A_373 {offsets = [5], sizes = [1], strides = [1]} : vector<16xi32> to vector<1xi32>
        %squeeze3A_563 = vector.extract %slice3A_562[0] : i32 from vector<1xi32>
        %shift_right_logical3A_564 = arith.constant 7 : i32
        %shift_right_logical3A_565 = arith.shrui %squeeze3A_563, %shift_right_logical3A_564 : i32
        %mul3A_566 = arith.constant 128 : i32
        %mul3A_567 = arith.muli %shift_right_logical3A_565, %mul3A_566 : i32
        %multiple_of3A_568 = tpu.assume_multiple %mul3A_567, 128 : i32
        %dma_start3A_569 = arith.constant 1 : i32
        %dma_start3A_570 = arith.constant 0 : i32
        %dma_start3A_571 = arith.constant 0 : i32
        %dma_start3A_572 = tpu.memref_slice %arg11[%dma_start3A_569, %dma_start3A_570, %dma_start3A_571] : memref<4x32x128xf32, #tpu.memory_space<vmem>> -> memref<1x32x128xf32, #tpu.memory_space<vmem>>
        %dma_start3A_573 = tpu.memref_squeeze %dma_start3A_572 : memref<1x32x128xf32, #tpu.memory_space<vmem>> -> memref<32x128xf32, #tpu.memory_space<vmem>>
        %dma_start3A_574 = arith.constant 0 : i32
        %dma_start3A_575 = tpu.memref_slice %arg5[%dma_start3A_574, %multiple_of3A_568] : memref<32x1000000xf32, #tpu.memory_space<hbm>> -> memref<32x128xf32, #tpu.memory_space<hbm>>
        %dma_start3A_576 = arith.constant 0 : i32
        %dma_start3A_577 = arith.constant 0 : i32
        %dma_start3A_578 = tpu.memref_slice %arg11[%dma_start3A_569, %dma_start3A_576, %dma_start3A_577] : memref<4x32x128xf32, #tpu.memory_space<vmem>> -> memref<1x32x128xf32, #tpu.memory_space<vmem>>
        %dma_start3A_579 = tpu.memref_squeeze %dma_start3A_578 : memref<1x32x128xf32, #tpu.memory_space<vmem>> -> memref<32x128xf32, #tpu.memory_space<vmem>>
        %dma_start3A_580 = arith.constant 0 : i32
        %dma_start3A_581 = tpu.memref_slice %arg5[%dma_start3A_580, %multiple_of3A_568] : memref<32x1000000xf32, #tpu.memory_space<hbm>> -> memref<32x128xf32, #tpu.memory_space<hbm>>
        tpu.enqueue_dma source(%dma_start3A_581 : memref<32x128xf32, #tpu.memory_space<hbm>>) target(%dma_start3A_579 : memref<32x128xf32, #tpu.memory_space<vmem>>) target_semaphore(%arg19 : memref<!tpu.dma_semaphore, #tpu.memory_space<semaphore_mem>>)
      } else {
      }
      %mul3A_468 = arith.constant 4 : i32
      %mul3A_469 = arith.muli %scan3A_183, %mul3A_468 : i32
      %add3A_470 = arith.constant 2 : i32
      %add3A_471 = arith.addi %mul3A_469, %add3A_470 : i32
      %dma_wait3A_472 = arith.constant 2 : i32
      %dma_wait3A_473 = arith.constant 0 : i32
      %dma_wait3A_474 = arith.constant 0 : i32
      %dma_wait3A_475 = tpu.memref_slice %arg11[%dma_wait3A_472, %dma_wait3A_473, %dma_wait3A_474] : memref<4x32x128xf32, #tpu.memory_space<vmem>> -> memref<1x32x128xf32, #tpu.memory_space<vmem>>
      %dma_wait3A_476 = tpu.memref_squeeze %dma_wait3A_475 : memref<1x32x128xf32, #tpu.memory_space<vmem>> -> memref<32x128xf32, #tpu.memory_space<vmem>>
      %dma_wait3A_477 = arith.constant 0 : i32
      %dma_wait3A_478 = arith.constant 0 : i32
      %dma_wait3A_479 = tpu.memref_slice %arg5[%dma_wait3A_477, %dma_wait3A_478] : memref<32x1000000xf32, #tpu.memory_space<hbm>> -> memref<32x128xf32, #tpu.memory_space<hbm>>
      %dma_wait3A_480 = arith.constant 0 : i32
      %dma_wait3A_481 = arith.constant 0 : i32
      %dma_wait3A_482 = tpu.memref_slice %arg11[%dma_wait3A_472, %dma_wait3A_480, %dma_wait3A_481] : memref<4x32x128xf32, #tpu.memory_space<vmem>> -> memref<1x32x128xf32, #tpu.memory_space<vmem>>
      %dma_wait3A_483 = tpu.memref_squeeze %dma_wait3A_482 : memref<1x32x128xf32, #tpu.memory_space<vmem>> -> memref<32x128xf32, #tpu.memory_space<vmem>>
      %dma_wait3A_484 = arith.constant 0 : i32
      %dma_wait3A_485 = arith.constant 0 : i32
      %dma_wait3A_486 = tpu.memref_slice %arg5[%dma_wait3A_484, %dma_wait3A_485] : memref<32x1000000xf32, #tpu.memory_space<hbm>> -> memref<32x128xf32, #tpu.memory_space<hbm>>
      tpu.wait_dma2 semaphore(%arg20 : memref<!tpu.dma_semaphore, #tpu.memory_space<semaphore_mem>>) src(%dma_wait3A_486 : memref<32x128xf32, #tpu.memory_space<hbm>>) dst(%dma_wait3A_483 : memref<32x128xf32, #tpu.memory_space<vmem>>)
      %slice3A_487 = vector.extract_strided_slice %get3A_373 {offsets = [2], sizes = [1], strides = [1]} : vector<16xi32> to vector<1xi32>
      %squeeze3A_488 = vector.extract %slice3A_487[0] : i32 from vector<1xi32>
      %and3A_489 = arith.constant 127 : i32
      %and3A_490 = arith.andi %squeeze3A_488, %and3A_489 : i32
      %broadcast_in_dim3A_491 = vector.broadcast %and3A_490 : i32 to vector<16xi32>
      %shift_right_logical3A_492 = arith.constant 7 : i32
      %shift_right_logical3A_493 = arith.shrui %add3A_471, %shift_right_logical3A_492 : i32
      %broadcast_in_dim3A_494 = vector.broadcast %shift_right_logical3A_493 : i32 to vector<16xi32>
      %and3A_495 = arith.constant 127 : i32
      %and3A_496 = arith.andi %add3A_471, %and3A_495 : i32
      %broadcast_in_dim3A_497 = vector.broadcast %and3A_496 : i32 to vector<16xi32>
      %gather3A_498 = arith.constant 2 : i32
      %gather3A_499 = arith.constant 0 : i32
      %gather3A_500 = arith.constant 0 : i32
      %gather3A_501 = tpu.memref_slice %arg11[%gather3A_498, %gather3A_499, %gather3A_500] : memref<4x32x128xf32, #tpu.memory_space<vmem>> -> memref<1x32x128xf32, #tpu.memory_space<vmem>>
      %gather3A_502 = tpu.memref_squeeze %gather3A_501 : memref<1x32x128xf32, #tpu.memory_space<vmem>> -> memref<32x128xf32, #tpu.memory_space<vmem>>
      %gather3A_503 = tpu.vector_load_idx %gather3A_502[%iota3A, %broadcast_in_dim3A_491] : memref<32x128xf32, #tpu.memory_space<vmem>>[vector<16xi32>, vector<16xi32>], vector<16xf32>,
      %gather3A_504 = arith.constant 2 : i32
      %gather3A_505 = arith.constant 0 : i32
      %gather3A_506 = arith.constant 0 : i32
      %gather3A_507 = tpu.memref_slice %arg11[%gather3A_504, %gather3A_505, %gather3A_506] : memref<4x32x128xf32, #tpu.memory_space<vmem>> -> memref<1x32x128xf32, #tpu.memory_space<vmem>>
      %gather3A_508 = tpu.memref_squeeze %gather3A_507 : memref<1x32x128xf32, #tpu.memory_space<vmem>> -> memref<32x128xf32, #tpu.memory_space<vmem>>
      %gather3A_509 = tpu.vector_load_idx %gather3A_508[%add3A_5, %broadcast_in_dim3A_491] : memref<32x128xf32, #tpu.memory_space<vmem>>[vector<16xi32>, vector<16xi32>], vector<16xf32>,
      tpu.vector_store_idx %arg13[%shift_right_logical3A_12, %broadcast_in_dim3A_494, %and3A_7, %broadcast_in_dim3A_497], %gather3A_503 : memref<4x4x8x128xf32, #tpu.memory_space<vmem>>[vector<16xi32>, vector<16xi32>, vector<16xi32>, vector<16xi32>], vector<16xf32>,
      tpu.vector_store_idx %arg13[%shift_right_logical3A_15, %broadcast_in_dim3A_494, %and3A_10, %broadcast_in_dim3A_497], %gather3A_509 : memref<4x4x8x128xf32, #tpu.memory_space<vmem>>[vector<16xi32>, vector<16xi32>, vector<16xi32>, vector<16xi32>], vector<16xf32>,
      %lt3A_510 = arith.constant 127 : i32
      %lt3A_511 = arith.cmpi slt, %scan3A_183, %lt3A_510 : i32
      %convert_element_type3A_512 = arith.extui %lt3A_511 : i1 to i32
      %cond3A_513 = arith.constant 0 : i32
      %cond3A_514 = arith.cmpi ne, %convert_element_type3A_512, %cond3A_513 : i32
      scf.if %cond3A_514 {
        %slice3A_562 = vector.extract_strided_slice %get3A_373 {offsets = [6], sizes = [1], strides = [1]} : vector<16xi32> to vector<1xi32>
        %squeeze3A_563 = vector.extract %slice3A_562[0] : i32 from vector<1xi32>
        %shift_right_logical3A_564 = arith.constant 7 : i32
        %shift_right_logical3A_565 = arith.shrui %squeeze3A_563, %shift_right_logical3A_564 : i32
        %mul3A_566 = arith.constant 128 : i32
        %mul3A_567 = arith.muli %shift_right_logical3A_565, %mul3A_566 : i32
        %multiple_of3A_568 = tpu.assume_multiple %mul3A_567, 128 : i32
        %dma_start3A_569 = arith.constant 2 : i32
        %dma_start3A_570 = arith.constant 0 : i32
        %dma_start3A_571 = arith.constant 0 : i32
        %dma_start3A_572 = tpu.memref_slice %arg11[%dma_start3A_569, %dma_start3A_570, %dma_start3A_571] : memref<4x32x128xf32, #tpu.memory_space<vmem>> -> memref<1x32x128xf32, #tpu.memory_space<vmem>>
        %dma_start3A_573 = tpu.memref_squeeze %dma_start3A_572 : memref<1x32x128xf32, #tpu.memory_space<vmem>> -> memref<32x128xf32, #tpu.memory_space<vmem>>
        %dma_start3A_574 = arith.constant 0 : i32
        %dma_start3A_575 = tpu.memref_slice %arg5[%dma_start3A_574, %multiple_of3A_568] : memref<32x1000000xf32, #tpu.memory_space<hbm>> -> memref<32x128xf32, #tpu.memory_space<hbm>>
        %dma_start3A_576 = arith.constant 0 : i32
        %dma_start3A_577 = arith.constant 0 : i32
        %dma_start3A_578 = tpu.memref_slice %arg11[%dma_start3A_569, %dma_start3A_576, %dma_start3A_577] : memref<4x32x128xf32, #tpu.memory_space<vmem>> -> memref<1x32x128xf32, #tpu.memory_space<vmem>>
        %dma_start3A_579 = tpu.memref_squeeze %dma_start3A_578 : memref<1x32x128xf32, #tpu.memory_space<vmem>> -> memref<32x128xf32, #tpu.memory_space<vmem>>
        %dma_start3A_580 = arith.constant 0 : i32
        %dma_start3A_581 = tpu.memref_slice %arg5[%dma_start3A_580, %multiple_of3A_568] : memref<32x1000000xf32, #tpu.memory_space<hbm>> -> memref<32x128xf32, #tpu.memory_space<hbm>>
        tpu.enqueue_dma source(%dma_start3A_581 : memref<32x128xf32, #tpu.memory_space<hbm>>) target(%dma_start3A_579 : memref<32x128xf32, #tpu.memory_space<vmem>>) target_semaphore(%arg20 : memref<!tpu.dma_semaphore, #tpu.memory_space<semaphore_mem>>)
      } else {
      }
      %mul3A_515 = arith.constant 4 : i32
      %mul3A_516 = arith.muli %scan3A_183, %mul3A_515 : i32
      %add3A_517 = arith.constant 3 : i32
      %add3A_518 = arith.addi %mul3A_516, %add3A_517 : i32
      %dma_wait3A_519 = arith.constant 3 : i32
      %dma_wait3A_520 = arith.constant 0 : i32
      %dma_wait3A_521 = arith.constant 0 : i32
      %dma_wait3A_522 = tpu.memref_slice %arg11[%dma_wait3A_519, %dma_wait3A_520, %dma_wait3A_521] : memref<4x32x128xf32, #tpu.memory_space<vmem>> -> memref<1x32x128xf32, #tpu.memory_space<vmem>>
      %dma_wait3A_523 = tpu.memref_squeeze %dma_wait3A_522 : memref<1x32x128xf32, #tpu.memory_space<vmem>> -> memref<32x128xf32, #tpu.memory_space<vmem>>
      %dma_wait3A_524 = arith.constant 0 : i32
      %dma_wait3A_525 = arith.constant 0 : i32
      %dma_wait3A_526 = tpu.memref_slice %arg5[%dma_wait3A_524, %dma_wait3A_525] : memref<32x1000000xf32, #tpu.memory_space<hbm>> -> memref<32x128xf32, #tpu.memory_space<hbm>>
      %dma_wait3A_527 = arith.constant 0 : i32
      %dma_wait3A_528 = arith.constant 0 : i32
      %dma_wait3A_529 = tpu.memref_slice %arg11[%dma_wait3A_519, %dma_wait3A_527, %dma_wait3A_528] : memref<4x32x128xf32, #tpu.memory_space<vmem>> -> memref<1x32x128xf32, #tpu.memory_space<vmem>>
      %dma_wait3A_530 = tpu.memref_squeeze %dma_wait3A_529 : memref<1x32x128xf32, #tpu.memory_space<vmem>> -> memref<32x128xf32, #tpu.memory_space<vmem>>
      %dma_wait3A_531 = arith.constant 0 : i32
      %dma_wait3A_532 = arith.constant 0 : i32
      %dma_wait3A_533 = tpu.memref_slice %arg5[%dma_wait3A_531, %dma_wait3A_532] : memref<32x1000000xf32, #tpu.memory_space<hbm>> -> memref<32x128xf32, #tpu.memory_space<hbm>>
      tpu.wait_dma2 semaphore(%arg21 : memref<!tpu.dma_semaphore, #tpu.memory_space<semaphore_mem>>) src(%dma_wait3A_533 : memref<32x128xf32, #tpu.memory_space<hbm>>) dst(%dma_wait3A_530 : memref<32x128xf32, #tpu.memory_space<vmem>>)
      %slice3A_534 = vector.extract_strided_slice %get3A_373 {offsets = [3], sizes = [1], strides = [1]} : vector<16xi32> to vector<1xi32>
      %squeeze3A_535 = vector.extract %slice3A_534[0] : i32 from vector<1xi32>
      %and3A_536 = arith.constant 127 : i32
      %and3A_537 = arith.andi %squeeze3A_535, %and3A_536 : i32
      %broadcast_in_dim3A_538 = vector.broadcast %and3A_537 : i32 to vector<16xi32>
      %shift_right_logical3A_539 = arith.constant 7 : i32
      %shift_right_logical3A_540 = arith.shrui %add3A_518, %shift_right_logical3A_539 : i32
      %broadcast_in_dim3A_541 = vector.broadcast %shift_right_logical3A_540 : i32 to vector<16xi32>
      %and3A_542 = arith.constant 127 : i32
      %and3A_543 = arith.andi %add3A_518, %and3A_542 : i32
      %broadcast_in_dim3A_544 = vector.broadcast %and3A_543 : i32 to vector<16xi32>
      %gather3A_545 = arith.constant 3 : i32
      %gather3A_546 = arith.constant 0 : i32
      %gather3A_547 = arith.constant 0 : i32
      %gather3A_548 = tpu.memref_slice %arg11[%gather3A_545, %gather3A_546, %gather3A_547] : memref<4x32x128xf32, #tpu.memory_space<vmem>> -> memref<1x32x128xf32, #tpu.memory_space<vmem>>
      %gather3A_549 = tpu.memref_squeeze %gather3A_548 : memref<1x32x128xf32, #tpu.memory_space<vmem>> -> memref<32x128xf32, #tpu.memory_space<vmem>>
      %gather3A_550 = tpu.vector_load_idx %gather3A_549[%iota3A, %broadcast_in_dim3A_538] : memref<32x128xf32, #tpu.memory_space<vmem>>[vector<16xi32>, vector<16xi32>], vector<16xf32>,
      %gather3A_551 = arith.constant 3 : i32
      %gather3A_552 = arith.constant 0 : i32
      %gather3A_553 = arith.constant 0 : i32
      %gather3A_554 = tpu.memref_slice %arg11[%gather3A_551, %gather3A_552, %gather3A_553] : memref<4x32x128xf32, #tpu.memory_space<vmem>> -> memref<1x32x128xf32, #tpu.memory_space<vmem>>
      %gather3A_555 = tpu.memref_squeeze %gather3A_554 : memref<1x32x128xf32, #tpu.memory_space<vmem>> -> memref<32x128xf32, #tpu.memory_space<vmem>>
      %gather3A_556 = tpu.vector_load_idx %gather3A_555[%add3A_5, %broadcast_in_dim3A_538] : memref<32x128xf32, #tpu.memory_space<vmem>>[vector<16xi32>, vector<16xi32>], vector<16xf32>,
      tpu.vector_store_idx %arg13[%shift_right_logical3A_12, %broadcast_in_dim3A_541, %and3A_7, %broadcast_in_dim3A_544], %gather3A_550 : memref<4x4x8x128xf32, #tpu.memory_space<vmem>>[vector<16xi32>, vector<16xi32>, vector<16xi32>, vector<16xi32>], vector<16xf32>,
      tpu.vector_store_idx %arg13[%shift_right_logical3A_15, %broadcast_in_dim3A_541, %and3A_10, %broadcast_in_dim3A_544], %gather3A_556 : memref<4x4x8x128xf32, #tpu.memory_space<vmem>>[vector<16xi32>, vector<16xi32>, vector<16xi32>, vector<16xi32>], vector<16xf32>,
      %lt3A_557 = arith.constant 127 : i32
      %lt3A_558 = arith.cmpi slt, %scan3A_183, %lt3A_557 : i32
      %convert_element_type3A_559 = arith.extui %lt3A_558 : i1 to i32
      %cond3A_560 = arith.constant 0 : i32
      %cond3A_561 = arith.cmpi ne, %convert_element_type3A_559, %cond3A_560 : i32
      scf.if %cond3A_561 {
        %slice3A_562 = vector.extract_strided_slice %get3A_373 {offsets = [7], sizes = [1], strides = [1]} : vector<16xi32> to vector<1xi32>
        %squeeze3A_563 = vector.extract %slice3A_562[0] : i32 from vector<1xi32>
        %shift_right_logical3A_564 = arith.constant 7 : i32
        %shift_right_logical3A_565 = arith.shrui %squeeze3A_563, %shift_right_logical3A_564 : i32
        %mul3A_566 = arith.constant 128 : i32
        %mul3A_567 = arith.muli %shift_right_logical3A_565, %mul3A_566 : i32
        %multiple_of3A_568 = tpu.assume_multiple %mul3A_567, 128 : i32
        %dma_start3A_569 = arith.constant 3 : i32
        %dma_start3A_570 = arith.constant 0 : i32
        %dma_start3A_571 = arith.constant 0 : i32
        %dma_start3A_572 = tpu.memref_slice %arg11[%dma_start3A_569, %dma_start3A_570, %dma_start3A_571] : memref<4x32x128xf32, #tpu.memory_space<vmem>> -> memref<1x32x128xf32, #tpu.memory_space<vmem>>
        %dma_start3A_573 = tpu.memref_squeeze %dma_start3A_572 : memref<1x32x128xf32, #tpu.memory_space<vmem>> -> memref<32x128xf32, #tpu.memory_space<vmem>>
        %dma_start3A_574 = arith.constant 0 : i32
        %dma_start3A_575 = tpu.memref_slice %arg5[%dma_start3A_574, %multiple_of3A_568] : memref<32x1000000xf32, #tpu.memory_space<hbm>> -> memref<32x128xf32, #tpu.memory_space<hbm>>
        %dma_start3A_576 = arith.constant 0 : i32
        %dma_start3A_577 = arith.constant 0 : i32
        %dma_start3A_578 = tpu.memref_slice %arg11[%dma_start3A_569, %dma_start3A_576, %dma_start3A_577] : memref<4x32x128xf32, #tpu.memory_space<vmem>> -> memref<1x32x128xf32, #tpu.memory_space<vmem>>
        %dma_start3A_579 = tpu.memref_squeeze %dma_start3A_578 : memref<1x32x128xf32, #tpu.memory_space<vmem>> -> memref<32x128xf32, #tpu.memory_space<vmem>>
        %dma_start3A_580 = arith.constant 0 : i32
        %dma_start3A_581 = tpu.memref_slice %arg5[%dma_start3A_580, %multiple_of3A_568] : memref<32x1000000xf32, #tpu.memory_space<hbm>> -> memref<32x128xf32, #tpu.memory_space<hbm>>
        tpu.enqueue_dma source(%dma_start3A_581 : memref<32x128xf32, #tpu.memory_space<hbm>>) target(%dma_start3A_579 : memref<32x128xf32, #tpu.memory_space<vmem>>) target_semaphore(%arg21 : memref<!tpu.dma_semaphore, #tpu.memory_space<semaphore_mem>>)
      } else {
      }
    }
    %scan3A_178 = arith.constant 128 : i32
    %mul3A_179 = arith.constant 4 : i32
    %mul3A_180 = arith.muli %add3A, %mul3A_179 : i32
    "tpu.region"() ({
      %run_scoped3A = tpu.sem_alloc : memref<!tpu.dma_semaphore, #tpu.memory_space<semaphore_mem>>
      %dma_start3A_183 = arith.constant 0 : i32
      %dma_start3A_184 = arith.constant 0 : i32
      %dma_start3A_185 = arith.constant 0 : i32
      %dma_start3A_186 = tpu.memref_slice %arg6[%dma_start3A_183, %mul3A_180, %dma_start3A_184, %dma_start3A_185] : memref<4x128x8x128xf32, #tpu.memory_space<hbm>> -> memref<4x4x8x128xf32, #tpu.memory_space<hbm>>
      %dma_start3A_187 = arith.constant 0 : i32
      %dma_start3A_188 = arith.constant 0 : i32
      %dma_start3A_189 = arith.constant 0 : i32
      %dma_start3A_190 = tpu.memref_slice %arg6[%dma_start3A_187, %mul3A_180, %dma_start3A_188, %dma_start3A_189] : memref<4x128x8x128xf32, #tpu.memory_space<hbm>> -> memref<4x4x8x128xf32, #tpu.memory_space<hbm>>
      tpu.enqueue_dma source(%arg12 : memref<4x4x8x128xf32, #tpu.memory_space<vmem>>) target(%dma_start3A_190 : memref<4x4x8x128xf32, #tpu.memory_space<hbm>>) target_semaphore(%run_scoped3A : memref<!tpu.dma_semaphore, #tpu.memory_space<semaphore_mem>>)
      %dma_wait3A = arith.constant 0 : i32
      %dma_wait3A_191 = arith.constant 0 : i32
      %dma_wait3A_192 = arith.constant 0 : i32
      %dma_wait3A_193 = tpu.memref_slice %arg6[%dma_wait3A, %mul3A_180, %dma_wait3A_191, %dma_wait3A_192] : memref<4x128x8x128xf32, #tpu.memory_space<hbm>> -> memref<4x4x8x128xf32, #tpu.memory_space<hbm>>
      %dma_wait3A_194 = arith.constant 0 : i32
      %dma_wait3A_195 = arith.constant 0 : i32
      %dma_wait3A_196 = arith.constant 0 : i32
      %dma_wait3A_197 = tpu.memref_slice %arg6[%dma_wait3A_194, %mul3A_180, %dma_wait3A_195, %dma_wait3A_196] : memref<4x128x8x128xf32, #tpu.memory_space<hbm>> -> memref<4x4x8x128xf32, #tpu.memory_space<hbm>>
      tpu.wait_dma2 semaphore(%run_scoped3A : memref<!tpu.dma_semaphore, #tpu.memory_space<semaphore_mem>>) src(%arg12 : memref<4x4x8x128xf32, #tpu.memory_space<vmem>>) dst(%dma_wait3A_197 : memref<4x4x8x128xf32, #tpu.memory_space<hbm>>)
      tpu.yield
    }) : () -> ()
    %mul3A_181 = arith.constant 4 : i32
    %mul3A_182 = arith.muli %add3A, %mul3A_181 : i32
    "tpu.region"() ({
      %run_scoped3A = tpu.sem_alloc : memref<!tpu.dma_semaphore, #tpu.memory_space<semaphore_mem>>
      %dma_start3A_183 = arith.constant 0 : i32
      %dma_start3A_184 = arith.constant 0 : i32
      %dma_start3A_185 = arith.constant 0 : i32
      %dma_start3A_186 = tpu.memref_slice %arg7[%dma_start3A_183, %mul3A_182, %dma_start3A_184, %dma_start3A_185] : memref<4x128x8x128xf32, #tpu.memory_space<hbm>> -> memref<4x4x8x128xf32, #tpu.memory_space<hbm>>
      %dma_start3A_187 = arith.constant 0 : i32
      %dma_start3A_188 = arith.constant 0 : i32
      %dma_start3A_189 = arith.constant 0 : i32
      %dma_start3A_190 = tpu.memref_slice %arg7[%dma_start3A_187, %mul3A_182, %dma_start3A_188, %dma_start3A_189] : memref<4x128x8x128xf32, #tpu.memory_space<hbm>> -> memref<4x4x8x128xf32, #tpu.memory_space<hbm>>
      tpu.enqueue_dma source(%arg13 : memref<4x4x8x128xf32, #tpu.memory_space<vmem>>) target(%dma_start3A_190 : memref<4x4x8x128xf32, #tpu.memory_space<hbm>>) target_semaphore(%run_scoped3A : memref<!tpu.dma_semaphore, #tpu.memory_space<semaphore_mem>>)
      %dma_wait3A = arith.constant 0 : i32
      %dma_wait3A_191 = arith.constant 0 : i32
      %dma_wait3A_192 = arith.constant 0 : i32
      %dma_wait3A_193 = tpu.memref_slice %arg7[%dma_wait3A, %mul3A_182, %dma_wait3A_191, %dma_wait3A_192] : memref<4x128x8x128xf32, #tpu.memory_space<hbm>> -> memref<4x4x8x128xf32, #tpu.memory_space<hbm>>
      %dma_wait3A_194 = arith.constant 0 : i32
      %dma_wait3A_195 = arith.constant 0 : i32
      %dma_wait3A_196 = arith.constant 0 : i32
      %dma_wait3A_197 = tpu.memref_slice %arg7[%dma_wait3A_194, %mul3A_182, %dma_wait3A_195, %dma_wait3A_196] : memref<4x128x8x128xf32, #tpu.memory_space<hbm>> -> memref<4x4x8x128xf32, #tpu.memory_space<hbm>>
      tpu.wait_dma2 semaphore(%run_scoped3A : memref<!tpu.dma_semaphore, #tpu.memory_space<semaphore_mem>>) src(%arg13 : memref<4x4x8x128xf32, #tpu.memory_space<vmem>>) dst(%dma_wait3A_197 : memref<4x4x8x128xf32, #tpu.memory_space<hbm>>)
      tpu.yield
    }) : () -> ()
    return
  }
}

</mosaic_0001>

<sc_bundles>
// kernel: _embed_lookup.3.cloned.1.call-start
scs
__scs_entry_jumppad:
0x0: {  	(pc) =	sbr.rel $0x88, $3  }
0x1: {  	(tag) =	ssettag $0x0;
	lr =	simm.s32 $0x1  }
0x2: {  	[smem:$0x3F9D] =	sst lr;
	_ =	strace $0xD0000000  }
0x3: {  	_ = 	snop  }
0x4: {  	_ = 	snop  }
0x5: {  	_ = 	snop  }
0x6: {  	_ = 	snop  }
0x7: {  	_ = 	snop  }
__scs_overlays_trampoline_lowered:
0x8: {  	[smem:$0x3FAC] =	sst s0  }
0x9: {  	[smem:$0x3FAD] =	sst s1  }
0xa: {  	[smem:$0x3FAE] =	sst s2  }
0xb: {  	[smem:$0x3FAF] =	sst s3  }
0xc: {  	[smem:$0x3FB0] =	sst s4  }
0xd: {  	[smem:$0x3FB1] =	sst s5  }
0xe: {  	[smem:$0x3FB2] =	sst s6  }
0xf: {  	[smem:$0x3FB3] =	sst s7  }
0x10: {  	[smem:$0x3FB4] =	sst s8  }
0x11: {  	[smem:$0x3FB5] =	sst s9;
	s0 =	simm.s32 @!p0 $0x0  }
0x12: {  	s1 =	sld [smem:$0x3F9B];
	s0 =	simm.s32 @p0 $0x1  }
0x13: {  	[smem:$0x3FB6] =	sst s0;
	s0 =	simm.s32 @!p1 $0x0  }
0x14: {  	s2 =	sld [smem:$0x3F9A];
	s0 =	simm.s32 @p1 $0x1  }
0x15: {  	[smem:$0x3FB7] =	sst s0;
	s0 =	simm.s32 @!p2 $0x0  }
0x16: {  	s3 =	sld [smem:$0x3FDB];
	s0 =	simm.s32 @p2 $0x1  }
0x17: {  	s4 =	simm.s32 $0x1BF5;
	[smem:$0x3FB9] =	sst s0  }
0x18: {  	s0 =	sld [smem:$0x3F9C];
	_ =	swait.ge [sflag:s4], $0x0  }
0x19: {  	s7 =	sld [smem:$0x3F9D]  }
0x1a: {  	s8 =	sadd.s32 $0xFFFFE003, lr  }
0x1b: {  	s9 =	sadd.s32 $0xFFFFFEF7, lr;
	s5 =	simm.s32 $0xFFFFFFFF;
	p2 =	slt.u32 s8, $0xFFFFF086  }
0x1c: {  	p1 =	slt.u32 s9, $0xF7A;
	s5 =	simm.s32 @!p2 $0x0  }
0x1d: {  	s5 =	simm.s32 @p1 $0x1;
	p0 =	seq.s32 s7, s2  }
0x1e: {  	s7 =	smul.u32 @!p0 $0xF7A, s2;
	p2 =	seq.s32 @!p0 s5, $0x0  }
0x1f: {  	s9 =	smul.u32 $0xF7A, s1;
	s8 =	simm.s32 @!p0 $0x1BF5;
	p2 =	por !p2, p0  }
0x20: {  	[sflag:s8] =	ssyncset.s32 @!p0 $0xFFFFF086;
	s6 =	sadd.s32 @!p0 s3, s7;
	s7 =	simm.s32 @!p0 $0x108  }
0x21: {  	s3 =	sadd.s32 s3, s9;
	s6 =	sadd.s32 @!p0 $0x88, s6;
	s7 =	simm.s32 @p2 $0x1082  }
0x22: {  	[simem:s7], [sflag:s8] =	dma.local @!p0 [hbm:s6], $0xF7A  }
0x23: {  	s9 =	sor.u32 $0xD0000000, s2;
	s6 =	simm.s32 $0x108;
	_ =	swait.ge @!p0 [sflag:s8], $0x0  }
0x24: {  	s3 =	sadd.s32 $0x88, s3;
	s6 =	simm.s32 @!p1 $0x1082;
	[sflag:s4] =	ssyncset.s32 $0xFFFFF086  }
0x25: {  	[simem:s6], [sflag:s4] =	dma.local [hbm:s3], $0xF7A  }
0x26: {  	[smem:$0x3F9D] =	sst s1;
	(tag) =	ssettag s2;
	_ =	strace s9  }
0x27: {  	s1 =	sld [smem:$0x3FAD]  }
0x28: {  	s2 =	sld [smem:$0x3FAE]  }
0x29: {  	s4 =	sld [smem:$0x3FB0]  }
0x2a: {  	p0 =	seq.s32 s5, $0x0;
	s5 =	sld [smem:$0x3FB1]  }
0x2b: {  	s6 =	sld [smem:$0x3FB2]  }
0x2c: {  	s7 =	sld [smem:$0x3FB3]  }
0x2d: {  	s3 =	simm.s32 $0x108;
	s8 =	sld [smem:$0x3FB4]  }
0x2e: {  	s3 =	simm.s32 @!p0 $0x1082;
	s9 =	sld [smem:$0x3FB5]  }
0x2f: {  	lr =	sadd.s32 s0, s3;
	s0 =	sld [smem:$0x3FAC]  }
0x30: {  	s3 =	sld [smem:$0x3FAF]  }
0x31: {  	[smem:$0x3FB8] =	sst s10  }
0x32: {  	s10 =	sld [smem:$0x3FB6];
	_ =	sdelay $0x3  }
0x33: {  	p0 =	seq.s32 s10, $0x1;
	s10 =	sld [smem:$0x3FB8];
	_ =	sdelay $0x3  }
0x34: {  	[smem:$0x3FB8] =	sst s10  }
0x35: {  	s10 =	sld [smem:$0x3FB7];
	_ =	sdelay $0x3  }
0x36: {  	p1 =	seq.s32 s10, $0x1;
	s10 =	sld [smem:$0x3FB8];
	_ =	sdelay $0x3  }
0x37: {  	[smem:$0x3FB8] =	sst s10  }
0x38: {  	s10 =	sld [smem:$0x3FB9]  }
0x39: {  	_ = 	snop;
	(pc) =	sbr.ind lr, $3  }
0x3a: {  	_ = 	snop  }
0x3b: {  	_ = 	snop  }
0x3c: {  	p2 =	seq.s32 s10, $0x1;
	s10 =	sld [smem:$0x3FB8]  }
0x3d: {  	_ =	shalt  }
0x3e: {  	_ =	shalt  }
0x3f: {  	_ =	shalt  }
0x40: {  	_ =	shalt  }
0x41: {  	_ =	shalt  }
0x42: {  	_ =	shalt  }
0x43: {  	_ =	shalt  }
0x44: {  	_ =	shalt  }
0x45: {  	_ =	shalt  }
0x46: {  	_ =	shalt  }
0x47: {  	_ =	shalt  }
0x48: {  	_ =	shalt  }
0x49: {  	_ =	shalt  }
0x4a: {  	_ =	shalt  }
0x4b: {  	_ =	shalt  }
0x4c: {  	_ =	shalt  }
0x4d: {  	_ =	shalt  }
0x4e: {  	_ =	shalt  }
0x4f: {  	_ =	shalt  }
0x50: {  	_ =	shalt  }
0x51: {  	_ =	shalt  }
0x52: {  	_ =	shalt  }
0x53: {  	_ =	shalt  }
0x54: {  	_ =	shalt  }
0x55: {  	_ =	shalt  }
0x56: {  	_ =	shalt  }
0x57: {  	_ =	shalt  }
0x58: {  	_ =	shalt  }
0x59: {  	_ =	shalt  }
0x5a: {  	_ =	shalt  }
0x5b: {  	_ =	shalt  }
0x5c: {  	_ =	shalt  }
0x5d: {  	_ =	shalt  }
0x5e: {  	_ =	shalt  }
0x5f: {  	_ =	shalt  }
0x60: {  	_ =	shalt  }
0x61: {  	_ =	shalt  }
0x62: {  	_ =	shalt  }
0x63: {  	_ =	shalt  }
0x64: {  	_ =	shalt  }
0x65: {  	_ =	shalt  }
0x66: {  	_ =	shalt  }
0x67: {  	_ =	shalt  }
0x68: {  	_ =	shalt  }
0x69: {  	_ =	shalt  }
0x6a: {  	_ =	shalt  }
0x6b: {  	_ =	shalt  }
0x6c: {  	_ =	shalt  }
0x6d: {  	_ =	shalt  }
0x6e: {  	_ =	shalt  }
0x6f: {  	_ =	shalt  }
0x70: {  	_ =	shalt  }
0x71: {  	_ =	shalt  }
0x72: {  	_ =	shalt  }
0x73: {  	_ =	shalt  }
0x74: {  	_ =	shalt  }
0x75: {  	_ =	shalt  }
0x76: {  	_ =	shalt  }
0x77: {  	_ =	shalt  }
0x78: {  	_ =	shalt  }
0x79: {  	_ =	shalt  }
0x7a: {  	_ =	shalt  }
0x7b: {  	_ =	shalt  }
0x7c: {  	_ =	shalt  }
0x7d: {  	_ =	shalt  }
0x7e: {  	_ =	shalt  }
0x7f: {  	_ =	shalt  }
0x80: {  	_ =	shalt  }
0x81: {  	_ =	shalt  }
0x82: {  	_ =	shalt  }
0x83: {  	_ =	shalt  }
0x84: {  	_ =	shalt  }
0x85: {  	_ =	shalt  }
0x86: {  	_ =	shalt  }
0x87: {  	_ =	shalt  }
.Lfunc_end0:
.L_simem_size_0:
called_computation_lowered:
.L_overlay_start_0:
0x88: {  	s2 =	sld [smem:$0x3FD9]  }
0x89: {  	s3 =	sld [smem:$0x3FFE];
	_ =	sdelay $0x1  }
0x8a: {  	s1 =	srdreg.scid  }
0x8b: {  	s0 =	sand.u32 $0x1, s1  }
0x8c: {  	s15 =	sshll.u32 s0, $0xA;
	s2 =	sadd.s32 s3, s2  }
0x8d: {  	s2 =	sadd.s32 s2, s15  }
0x8e: {  	[smem:$0x3FC4] =	sst s2  }
0x8f: {  	_ = 	snop  }
0x90: {  	s2 =	sld [smem:$0x3FC9]  }
0x91: {  	s16 =	sld [smem:$0x3FD0]  }
0x92: {  	s4 =	sld [smem:$0x3FC8]  }
0x93: {  	s5 =	sld [smem:$0x3FC7]  }
0x94: {  	s7 =	simm.s32 $0xA;
	s8 =	simm.s32 $0x10;
	s6 =	sld [smem:$0x3FC6]  }
0x95: {  	[smem:s8], [sflag:s7] =	dma.local [hbm:s16], $0x1  }
0x96: {  	_ =	swait.eq [sflag:s7], $0x1  }
0x97: {  	[sflag:s7] =	ssyncset.done $0x0  }
0x98: {  	s17 =	sld [smem:$0x10];
	[sflag:s7] =	ssyncadd.s32 $0xFFFFFFFF  }
0x99: {  	s18 =	sld [smem:$0x11];
	(tm) =	ssettm $0x1  }
0x9a: {  	s19 =	sld [smem:$0x3FFB];
	_ =	sdelay $0x3  }
0x9b: {  	_ =	strace s19  }
0x9c: {  	s8 =	sld [smem:$0x3FFC];
	_ =	sdelay $0x3  }
0x9d: {  	_ =	strace s8  }
0x9e: {  	s8 =	sld [smem:$0x3FFD];
	_ =	sdelay $0x3  }
0x9f: {  	_ =	strace s8  }
0xa0: {  	_ =	strace $0x8FFFFFFF  }
0xa1: {  	s20 =	sld [smem:$0x3FDB];
	_ =	sdelay $0x1  }
0xa2: {  	s9 =	simm.s32 $_scs_section_size  }
0xa3: {  	s10 =	simm.s32 $_size__tile_overlayer_lowered;
	s11 =	simm.s32 $_tile_overlayer_lowered  }
0xa4: {  	s23 =	simm.s32 $0x1BFF;
	s22 =	sshll.u32 s11, $0x1;
	s8 =	sadd.s32 s9, s20  }
0xa5: {  	s12 =	simm.s32 $0x0;
	s21 =	sshll.u32 s10, $0x1;
	s10 =	sadd.s32 s22, s8  }
0xa6: {  	[timem:s12], [sflag:s23] =	dma.local [hbm:s10], s21  }
0xa7: {  	_ =	swait.ge [sflag:s23], s21  }
0xa8: {  	s9 =	ssub.s32 $0x0, s21;
	[sflag:s23] =	ssyncset.done $0x0  }
0xa9: {  	[sflag:s23] =	ssyncadd.s32 s9;
	_ =	sdelay $0x1  }
0xaa: {  	s24 =	simm.s32 $0x1B8B  }
0xab: {  	_ =	swait.ge [sflag:s24], $0x1  }
0xac: {  	[sflag:s24] =	ssyncset.done $0x0  }
0xad: {  	s25 =	simm.s32 $0x1B8E;
	[sflag:s24] =	ssyncadd.s32 $0xFFFFFFFF  }
0xae: {  	s26 =	simm.s32 $execute0_lowered;
	[smem:$0x3FD2] =	sst s25  }
0xaf: {  	s9 =	sshll.u32 s26, $0x1;
	_ =	strace $0x80000046;
	[dreg:$0x1] =	wrdreg $0xFFFFFFFF  }
0xb0: {  	s28 =	simm.s32 $_size_execute0_lowered;
	s8 =	sadd.s32 s8, s9;
	[dreg:$0x0] =	wrdreg $0x0  }
0xb1: {  	s9 =	sshll.u32 s28, $0x1;
	[dreg:$0x2] =	wrdreg s8  }
0xb2: {  	[dreg:$0x3] =	wrdreg s9  }
0xb3: {  	[dreg:$0x4] =	wrdreg $0xC0  }
0xb4: {  	_ =	task [dreg:s12], $0x5FFFF  }
0xb5: {  	[dreg:$0x1] =	wrdreg $0xFFFFFFFF  }
0xb6: {  	[dreg:$0x0] =	wrdreg $0x60  }
0xb7: {  	[dreg:$0x2] =	wrdreg s2  }
0xb8: {  	[dreg:$0x3] =	wrdreg s4  }
0xb9: {  	[dreg:$0x4] =	wrdreg s5  }
0xba: {  	[dreg:$0x5] =	wrdreg s6  }
0xbb: {  	[dreg:$0x6] =	wrdreg s17  }
0xbc: {  	[dreg:$0x7] =	wrdreg s18  }
0xbd: {  	[dreg:$0x8] =	wrdreg $0x9  }
0xbe: {  	_ =	task.clear_ibuf [dreg:s12], $0x9FFFF;
	_ =	strace $0x90000046  }
0xbf: {  	s29 =	simm.s32 $0x9;
	_ =	strace $0x80000048  }
0xc0: {  	_ =	swait.ge [sflag:s29], $0x1  }
0xc1: {  	[sflag:s29] =	ssyncadd.s32 $0xFFFFFFFF  }
0xc2: {  	_ =	strace $0x90000048  }
0xc3: {  	_ =	sfence  }
0xc4: {  	s30 =	sld [smem:$0x0];
	_ =	sdelay $0x2  }
0xc5: {  	s31 =	sshll.u32 s1, $0xD;
	s1 =	sshrl.u32 s1, $0x2  }
0xc6: {  	s3 =	sand.u32 $0x4000, s31;
	s1 =	sadd.s32 s1, s30  }
0xc7: {  	s0 =	sor.u32 s3, s0;
	s1 =	sshll.u32 s1, $0x11  }
0xc8: {  	s0 =	sor.u32 s1, s0  }
0xc9: {  	s0 =	sadd.s32 $0x8F2B, s0  }
0xca: {  	[sflag:s0] =	ssyncadd.remote.s32 $0x1  }
0xcb: {  	_ =	sfence.sel $0xFFFF  }
0xcc: {  	[dreg:$0x0] =	wrdreg $0xFFFFFFFF;
	(pc) =	sbr.abs _section_cstart, $3  }
0xcd: {  	[dreg:$0x1] =	wrdreg $0xFFFFFFFF  }
0xce: {  	_ =	task.clear_ibuf [dreg:s12], $0x2FFFF;
	_ =	strace $0x9FFFFFFF  }
0xcf: {  	(tm) =	ssettm $0x7FFFFFFF  }
tec
execute0_lowered:
.L_overlay_start_1:
0x0: {  	(tag) =	ssettag $0x1  }
0x1: {  	s2 =	rddreg [dreg:$0x0]  }
0x2: {  	s3 =	rddreg [dreg:$0x1]  }
0x3: {  	s0 =	rddreg [dreg:$0x2]  }
0x4: {  	s1 =	rddreg [dreg:$0x3]  }
0x5: {  	s4 =	rddreg [dreg:$0x4];
	v1 =	vimm.s32 $0x1380;
	vm0 =	vcmask $0x300  }
0x6: {  	v2 =	vimm.s32 $0x3380;
	s5 =	rddreg [dreg:$0x5];
	s6 =	srdreg.scid;
	vm1 =	vcmask $0x704;
	vm15 =	vcmask $0xB08  }
0x7: {  	s8 =	stileid.u32;
	s9 =	simm.s32 $0x0;
	vm4 =	vcmask $0xF0C;
	s11 =	simm.s32 $0x400;
	v1 =	vsel vm0, $0x0, v1;
	v2 =	vsel vm0, $0x2000, v2  }
0x8: {  	v0 =	vlaneseq.u32;
	s12 =	simm.s32 $0x7A1400;
	s13 =	simm.s32 $0x500;
	s14 =	simm.s32 $0x4500;
	v1 =	vsel vm1, $0x80, v1;
	v2 =	vsel vm1, $0x2080, v2  }
0x9: {  	vm5 =	vcmask $0x1310;
	s15 =	simm.s32 $0x1500;
	s16 =	simm.s32 $0x5500;
	s17 =	simm.s32 $0x2500;
	v1 =	vsel vm15, $0x100, v1;
	v2 =	vsel vm15, $0x2100, v2  }
0xa: {  	vm6 =	vcmask $0x1714;
	s18 =	simm.s32 $0x6500;
	s19 =	simm.s32 $0x3500;
	s20 =	simm.s32 $0x7500;
	v1 =	vsel vm4, $0x180, v1;
	v2 =	vsel vm4, $0x2180, v2  }
0xb: {  	vm7 =	vcmask $0x1B18;
	s21 =	simm.s32 $0x1;
	s28 =	simm.s32 $0xC500;
	s29 =	simm.s32 $0x6;
	v1 =	vsel vm5, $0x200, v1;
	v2 =	vsel vm5, $0x2200, v2  }
0xc: {  	vm8 =	vcmask $0x1F1C;
	s30 =	simm.s32 $0x7;
	s31 =	simm.s32 $0x8;
	s6 =	sand.u32 $0x1, s6;
	v1 =	vsel vm6, $0x280, v1;
	v2 =	vsel vm6, $0x2280, v2  }
0xd: {  	vm9 =	vcmask $0x2320;
	s8 =	sshll.u32 s8, $0x1;
	[smem:$0x7FF] =	sst s9;
	s7 =	ssub.s32 $0x2, s6;
	v1 =	vsel vm7, $0x300, v1;
	v2 =	vsel vm7, $0x2300, v2  }
0xe: {  	vm10 =	vcmask $0x2724;
	s6 =	sor.u32 s6, s8;
	_ =	strace $0x80000047;
	s22 =	sshrl.u32 s7, $0x1;
	v1 =	vsel vm8, $0x380, v1;
	v2 =	vsel vm8, $0x2380, v2  }
0xf: {  	vm11 =	vcmask $0x2B28;
	s8 =	sshll.u32 s6, $0x6;
	s24 =	sshll.u32 s6, $0x9;
	s7 =	ssub.s32 s7, s22;
	v1 =	vsel vm9, $0x1000, v1;
	v2 =	vsel vm9, $0x3000, v2  }
0x10: {  	vm12 =	vcmask $0x2F2C;
	s2 =	sadd.s32 s2, s8;
	s23 =	sadd.s32 s3, s8;
	s25 =	sadd.s32 s4, s24;
	v1 =	vsel vm10, $0x1080, v1;
	v2 =	vsel vm10, $0x3080, v2  }
.Ltmp0:
0x11: {  	vm13 =	vcmask $0x3330;
	s4 =	simm.s32 $0x9;
	[dreg:$0x7] =	wrdreg s2;
	v1 =	vsel vm11, $0x1100, v1;
	v2 =	vsel vm11, $0x3100, v2;
	(pc) =	sbr.rel .LBB2_1-.Ltmp0, $4  }
0x12: {  	vm14 =	vcmask $0x3734;
	s22 =	simm.s32 $0x8500;
	s3 =	simm.s32 $0x0;
	[dreg:$0x8] =	wrdreg s23;
	v1 =	vsel vm12, $0x1180, v1;
	v2 =	vsel vm12, $0x3180, v2  }
0x13: {  	v0 =	vmul.u32 $0x80, v0;
	[dreg:$0x9] =	wrdreg s25;
	s2 =	sadd.s32 s5, s24;
	s26 =	smax.u32 s7, $0x1;
	v1 =	vsel vm13, $0x1200, v1;
	v2 =	vsel vm13, $0x3200, v2  }
0x14: {  	vm15 =	vcmask $0x3B38;
	s23 =	simm.s32 $0x2;
	s24 =	simm.s32 $0x3;
	[dreg:$0xa] =	wrdreg s2;
	v3 =	vsel vm14, $0x1280, v1;
	v4 =	vsel vm14, $0x3280, v2  }
0x15: {  	s25 =	simm.s32 $0x4;
	[dreg:$0xb] =	wrdreg s26;
	s26 =	simm.s32 $0x5;
	v1 =	vor.u32 $0x800, v0;
	v2 =	vsel vm15, $0x1300, v3;
	v3 =	vsel vm15, $0x3300, v4  }
.LBB2_4:
0x16: {  	s2 =	rddreg [dreg:$0x9]  }
0x17: {  	s3 =	simm.s32 $0x1000;
	s5 =	simm.s32 $0x20000;
	s4 =	simm.s32 $0x9  }
0x18: {  	[hbm4b:s2+s3] =	stream.strided.scatter [tilespmem:s22], [sflag:$0x9], $0x4000, s5, s3, $0x38;
	[tilespmem:$0x10500] =	vst v63  }
0x19: {  	_ =	swait.ge [sflag:s4], $0x4000  }
0x1a: {  	[sflag:s4] =	ssyncset.done $0x0  }
0x1b: {  	s8 =	rddreg [dreg:$0xa];
	[sflag:s4] =	ssyncadd.s32 $0xFFFFC000  }
0x1c: {  	[hbm4b:s8+s3] =	stream.strided.scatter [tilespmem:s28], [sflag:$0x9], $0x4000, s5, s3, $0x38;
	[tilespmem:$0x10500] =	vst v63  }
0x1d: {  	_ =	swait.ge [sflag:s4], $0x4000  }
0x1e: {  	s9 =	rddreg [dreg:$0xc]  }
0x1f: {  	s10 =	rddreg [dreg:$0xb];
	s3 =	sadd.s32 $0x1, s9  }
0x20: {  	p0 =	sne.s32 s3, s10  }
.Ltmp1:
0x21: {  	_ = 	snop;
	(pc) =	sbr.rel @!p0 .LBB2_5-.Ltmp1, $3  }
0x22: {  	_ =	sdelay $0x1  }
0x23: {  	[sflag:s4] =	ssyncset.done $0x0  }
0x24: {  	[sflag:s4] =	ssyncadd.s32 $0xFFFFC000  }
.LBB2_1:
0x25: {  	[dreg:$0xc] =	wrdreg s3  }
0x26: {  	s2 =	simm.s32 $0x0;
	s9 =	rddreg [dreg:$0x7]  }
0x27: {  	[tilespmem:s2], [sflag:$0x9] =	stream.linear.gather [hbm4b:s9+s2], $0x200, $0x38;
	[tilespmem:$0x10500] =	vst v63  }
0x28: {  	_ =	swait.ge [sflag:s4], $0x200  }
0x29: {  	[sflag:s4] =	ssyncset.done $0x0  }
0x2a: {  	s5 =	simm.s32 $0x280;
	s10 =	rddreg [dreg:$0x8];
	[sflag:s4] =	ssyncadd.s32 $0xFFFFFE00  }
0x2b: {  	[tilespmem:s5], [sflag:$0x9] =	stream.linear.gather [hbm4b:s10+s2], $0x200, $0x38;
	[tilespmem:$0x10500] =	vst v63  }
0x2c: {  	_ =	swait.ge [sflag:s4], $0x200  }
0x2d: {  	[sflag:s4] =	ssyncset.done $0x0  }
0x2e: {  	[sflag:s4] =	ssyncadd.s32 $0xFFFFFE00  }
0x2f: {  	v4 =	vld [tilespmem:$0x0]  }
0x30: {  	v5 =	vld [tilespmem:$0x280];
	_ =	sdelay $0x3  }
0x31: {  	(v2sf) =	vpush v4, $0x0  }
0x32: {  	(v2sf) =	vpush v5, $0x0;
	_ =	sdelay $0x1  }
0x33: {  	(v2sf) =	vpush v4, $0x1;
	_ =	sdelay $0x4  }
0x34: {  	(v2sf) =	vpush v5, $0x1  }
0x35: {  	(v2sf) =	vpush v4, $0x2;
	_ =	sdelay $0x5  }
0x36: {  	s4 =	spop (v2sf);
	(v2sf) =	vpush v5, $0x2  }
0x37: {  	s6 =	spop (v2sf);
	(v2sf) =	vpush v4, $0x3  }
0x38: {  	s2 =	sand.u32 $0xFFFFF80, s4  }
0x39: {  	s2 =	sadd.s32 s0, s2;
	s7 =	spop (v2sf)  }
0x3a: {  	(v2sf) =	vpush v5, $0x3;
	[tilespmem:s13], [sflag:$0x1] =	stream.strided.gather [hbm4b:s2+s11], $0x1000, s12, s11, $0x38;
	[tilespmem:$0x10500] =	vst v63  }
0x3b: {  	s2 =	sand.u32 $0xFFFFF80, s6  }
0x3c: {  	s2 =	sadd.s32 s1, s2  }
0x3d: {  	[tilespmem:s14], [sflag:$0x5] =	stream.strided.gather [hbm4b:s2+s11], $0x1000, s12, s11, $0x38;
	[tilespmem:$0x10500] =	vst v63  }
0x3e: {  	s8 =	spop (v2sf);
	s2 =	sand.u32 $0xFFFFF80, s7  }
0x3f: {  	s9 =	sand.u32 $0xFFFFF80, s8;
	s10 =	spop (v2sf);
	s2 =	sadd.s32 s0, s2  }
0x40: {  	[tilespmem:s15], [sflag:$0x2] =	stream.strided.gather [hbm4b:s2+s11], $0x1000, s12, s11, $0x38;
	[tilespmem:$0x10500] =	vst v63  }
0x41: {  	s4 =	sand.u32 $0xFFFFF80, s10;
	s2 =	sadd.s32 s1, s9  }
0x42: {  	[tilespmem:s16], [sflag:$0x6] =	stream.strided.gather [hbm4b:s2+s11], $0x1000, s12, s11, $0x38;
	[tilespmem:$0x10500] =	vst v63  }
0x43: {  	s2 =	sadd.s32 s0, s4  }
0x44: {  	[tilespmem:s17], [sflag:$0x3] =	stream.strided.gather [hbm4b:s2+s11], $0x1000, s12, s11, $0x38;
	[tilespmem:$0x10500] =	vst v63  }
0x45: {  	s6 =	spop (v2sf)  }
0x46: {  	s7 =	sand.u32 $0xFFFFF80, s6;
	s8 =	spop (v2sf)  }
0x47: {  	s2 =	sadd.s32 s1, s7;
	s9 =	sand.u32 $0xFFFFF80, s8  }
0x48: {  	[tilespmem:s18], [sflag:$0x7] =	stream.strided.gather [hbm4b:s2+s11], $0x1000, s12, s11, $0x38;
	[tilespmem:$0x10500] =	vst v63  }
0x49: {  	s10 =	spop (v2sf);
	s2 =	sadd.s32 s0, s9  }
0x4a: {  	[tilespmem:s19], [sflag:$0x4] =	stream.strided.gather [hbm4b:s2+s11], $0x1000, s12, s11, $0x38;
	[tilespmem:$0x10500] =	vst v63  }
0x4b: {  	s6 =	simm.s32 $0x0;
	s2 =	sand.u32 $0xFFFFF80, s10  }
0x4c: {  	s7 =	simm.s32 $0x0;
	s8 =	simm.s32 $0x0;
	s2 =	sadd.s32 s1, s2  }
0x4d: {  	[tilespmem:s20], [sflag:$0x8] =	stream.strided.gather [hbm4b:s2+s11], $0x1000, s12, s11, $0x38;
	[tilespmem:$0x10500] =	vst v63  }
.LBB2_2:
0x4e: {  	v4 =	vld [tilespmem:s7+$0x0];
	_ =	sdelay $0x3  }
0x4f: {  	_ =	swait.ge [sflag:s21], $0x1000  }
0x50: {  	(v2sf) =	vpush v4, $0x0;
	_ =	sdelay $0x9  }
0x51: {  	p0 =	seq.s32 s8, $0x7F  }
0x52: {  	(v2sf) =	vpush @!p0 v4, $0x4;
	_ =	sdelay $0x3  }
0x53: {  	s2 =	spop (v2sf)  }
0x54: {  	s2 =	sand.u32 $0x7F, s2  }
0x55: {  	v5 =	vor.u32 s2, v0  }
0x56: {  	v6 =	vor.u32 s2, v1  }
0x57: {  	s4 =	sshll.u32 s8, $0x5  }
0x58: {  	[sflag:s21] =	ssyncset.done $0x0;
	s2 =	sand.u32 $0xFFFFFC00, s4  }
0x59: {  	s3 =	sand.u32 $0x7C, s6;
	[sflag:s21] =	ssyncadd.s32 $0xFFFFF000;
	v7 =	vor.u32 s2, v2  }
0x5a: {  	v9 =	vor.u32 s2, v3;
	v8 =	vor.u32 s3, v7;
	v5 =	vld.idx.msk [tilespmem:v5+s13+$0x0], $0xffff  }
0x5b: {  	v10 =	vor.u32 s3, v9;
	v6 =	vld.idx.msk [tilespmem:v6+s13+$0x0], $0xffff;
	_ =	sdelay $0x2  }
0x5c: {  	s2 =	spop @!p0 (v2sf)  }
0x5d: {  	s10 =	simm.s32 @!p0 $0x400;
	s2 =	sand.u32 @!p0 $0xFFFFF80, s2;
	[tilespmem:v8+s22+$0x0] =	vst.idx.msk $0xffff, v5  }
0x5e: {  	s4 =	simm.s32 @!p0 $0x500;
	s9 =	sadd.s32 @!p0 s0, s2;
	s2 =	simm.s32 @!p0 $0x7A1400;
	[tilespmem:v10+s22+$0x0] =	vst.idx.msk $0xffff, v6  }
0x5f: {  	[tilespmem:s4], [sflag:$0x1] =	stream.strided.gather @!p0 [hbm4b:s9+s10], $0x1000, s2, s10, $0x38;
	[tilespmem:$0x10500] =	vst v63  }
0x60: {  	_ =	swait.ge [sflag:s23], $0x1000  }
0x61: {  	(v2sf) =	vpush v4, $0x1;
	_ =	sdelay $0xa  }
0x62: {  	(v2sf) =	vpush @!p0 v4, $0x5;
	_ =	sdelay $0x3  }
0x63: {  	s9 =	spop (v2sf)  }
0x64: {  	s4 =	sand.u32 $0x7F, s9  }
0x65: {  	v5 =	vor.u32 s4, v0  }
0x66: {  	v6 =	vor.u32 s4, v1;
	_ =	sdelay $0x1  }
0x67: {  	[sflag:s23] =	ssyncset.done $0x0  }
0x68: {  	[sflag:s23] =	ssyncadd.s32 $0xFFFFF000;
	s9 =	sor.u32 $0x1, s3  }
0x69: {  	v11 =	vor.u32 s9, v7;
	v5 =	vld.idx.msk [tilespmem:v5+s15+$0x0], $0xffff  }
0x6a: {  	v12 =	vor.u32 s9, v9;
	v6 =	vld.idx.msk [tilespmem:v6+s15+$0x0], $0xffff;
	_ =	sdelay $0x2  }
0x6b: {  	s4 =	spop @!p0 (v2sf)  }
0x6c: {  	s4 =	sand.u32 @!p0 $0xFFFFF80, s4;
	[tilespmem:v11+s22+$0x0] =	vst.idx.msk $0xffff, v5  }
0x6d: {  	s9 =	simm.s32 @!p0 $0x1500;
	s4 =	sadd.s32 @!p0 s0, s4;
	[tilespmem:v12+s22+$0x0] =	vst.idx.msk $0xffff, v6  }
0x6e: {  	[tilespmem:s9], [sflag:$0x2] =	stream.strided.gather @!p0 [hbm4b:s4+s10], $0x1000, s2, s10, $0x38;
	[tilespmem:$0x10500] =	vst v63  }
0x6f: {  	_ =	swait.ge [sflag:s24], $0x1000  }
0x70: {  	(v2sf) =	vpush v4, $0x2;
	_ =	sdelay $0xa  }
0x71: {  	(v2sf) =	vpush @!p0 v4, $0x6;
	_ =	sdelay $0x3  }
0x72: {  	s9 =	spop (v2sf)  }
0x73: {  	s4 =	sand.u32 $0x7F, s9  }
0x74: {  	v5 =	vor.u32 s4, v0  }
0x75: {  	v6 =	vor.u32 s4, v1;
	_ =	sdelay $0x1  }
0x76: {  	[sflag:s24] =	ssyncset.done $0x0  }
0x77: {  	[sflag:s24] =	ssyncadd.s32 $0xFFFFF000;
	s9 =	sor.u32 $0x2, s3  }
0x78: {  	v13 =	vor.u32 s9, v7;
	v5 =	vld.idx.msk [tilespmem:v5+s17+$0x0], $0xffff  }
0x79: {  	v14 =	vor.u32 s9, v9;
	v6 =	vld.idx.msk [tilespmem:v6+s17+$0x0], $0xffff;
	_ =	sdelay $0x2  }
0x7a: {  	s4 =	spop @!p0 (v2sf)  }
0x7b: {  	s4 =	sand.u32 @!p0 $0xFFFFF80, s4;
	[tilespmem:v13+s22+$0x0] =	vst.idx.msk $0xffff, v5  }
0x7c: {  	s9 =	simm.s32 @!p0 $0x2500;
	s4 =	sadd.s32 @!p0 s0, s4;
	[tilespmem:v14+s22+$0x0] =	vst.idx.msk $0xffff, v6  }
0x7d: {  	[tilespmem:s9], [sflag:$0x3] =	stream.strided.gather @!p0 [hbm4b:s4+s10], $0x1000, s2, s10, $0x38;
	[tilespmem:$0x10500] =	vst v63  }
0x7e: {  	_ =	swait.ge [sflag:s25], $0x1000  }
0x7f: {  	(v2sf) =	vpush v4, $0x3;
	_ =	sdelay $0xa  }
0x80: {  	(v2sf) =	vpush @!p0 v4, $0x7;
	_ =	sdelay $0x3  }
0x81: {  	s9 =	spop (v2sf)  }
0x82: {  	s4 =	sand.u32 $0x7F, s9  }
0x83: {  	v4 =	vor.u32 s4, v0  }
0x84: {  	v5 =	vor.u32 s4, v1;
	_ =	sdelay $0x1  }
0x85: {  	[sflag:s25] =	ssyncset.done $0x0  }
0x86: {  	s3 =	sor.u32 $0x3, s3;
	[sflag:s25] =	ssyncadd.s32 $0xFFFFF000  }
0x87: {  	v6 =	vor.u32 s3, v7;
	v4 =	vld.idx.msk [tilespmem:v4+s19+$0x0], $0xffff  }
0x88: {  	v7 =	vor.u32 s3, v9;
	v5 =	vld.idx.msk [tilespmem:v5+s19+$0x0], $0xffff;
	_ =	sdelay $0x2  }
0x89: {  	s3 =	spop @!p0 (v2sf)  }
0x8a: {  	s3 =	sand.u32 @!p0 $0xFFFFF80, s3;
	[tilespmem:v6+s22+$0x0] =	vst.idx.msk $0xffff, v4  }
0x8b: {  	s4 =	simm.s32 @!p0 $0x3500;
	s3 =	sadd.s32 @!p0 s0, s3;
	[tilespmem:v7+s22+$0x0] =	vst.idx.msk $0xffff, v5  }
0x8c: {  	[tilespmem:s4], [sflag:$0x4] =	stream.strided.gather @!p0 [hbm4b:s3+s10], $0x1000, s2, s10, $0x38;
	[tilespmem:$0x10500] =	vst v63  }
0x8d: {  	v4 =	vld [tilespmem:s5+$0x0];
	_ =	sdelay $0x3  }
0x8e: {  	_ =	swait.ge [sflag:s26], $0x1000  }
0x8f: {  	(v2sf) =	vpush v4, $0x0;
	_ =	sdelay $0xa  }
0x90: {  	(v2sf) =	vpush @!p0 v4, $0x4;
	_ =	sdelay $0x3  }
0x91: {  	s9 =	spop (v2sf)  }
0x92: {  	s3 =	sand.u32 $0x7F, s9  }
0x93: {  	v5 =	vor.u32 s3, v0  }
0x94: {  	v60 =	vor.u32 s3, v1;
	_ =	sdelay $0x1  }
0x95: {  	[sflag:s26] =	ssyncset.done $0x0  }
0x96: {  	[sflag:s26] =	ssyncadd.s32 $0xFFFFF000  }
0x97: {  	v5 =	vld.idx.msk [tilespmem:v5+s14+$0x0], $0xffff  }
0x98: {  	v9 =	vld.idx.msk [tilespmem:v60+s14+$0x0], $0xffff;
	_ =	sdelay $0x2  }
0x99: {  	s3 =	spop @!p0 (v2sf)  }
0x9a: {  	s3 =	sand.u32 @!p0 $0xFFFFF80, s3;
	[tilespmem:v8+s28+$0x0] =	vst.idx.msk $0xffff, v5  }
0x9b: {  	s4 =	simm.s32 @!p0 $0x4500;
	s3 =	sadd.s32 @!p0 s1, s3;
	[tilespmem:v10+s28+$0x0] =	vst.idx.msk $0xffff, v9  }
0x9c: {  	[tilespmem:s4], [sflag:$0x5] =	stream.strided.gather @!p0 [hbm4b:s3+s10], $0x1000, s2, s10, $0x38;
	[tilespmem:$0x10500] =	vst v63  }
0x9d: {  	_ =	swait.ge [sflag:s29], $0x1000  }
0x9e: {  	(v2sf) =	vpush v4, $0x1;
	_ =	sdelay $0xa  }
0x9f: {  	(v2sf) =	vpush @!p0 v4, $0x5;
	_ =	sdelay $0x3  }
0xa0: {  	s4 =	spop (v2sf)  }
0xa1: {  	s3 =	sand.u32 $0x7F, s4  }
0xa2: {  	v5 =	vor.u32 s3, v0  }
0xa3: {  	v61 =	vor.u32 s3, v1;
	_ =	sdelay $0x1  }
0xa4: {  	[sflag:s29] =	ssyncset.done $0x0  }
0xa5: {  	[sflag:s29] =	ssyncadd.s32 $0xFFFFF000  }
0xa6: {  	v5 =	vld.idx.msk [tilespmem:v5+s16+$0x0], $0xffff  }
0xa7: {  	v8 =	vld.idx.msk [tilespmem:v61+s16+$0x0], $0xffff;
	_ =	sdelay $0x2  }
0xa8: {  	s3 =	spop @!p0 (v2sf)  }
0xa9: {  	s3 =	sand.u32 @!p0 $0xFFFFF80, s3;
	[tilespmem:v11+s28+$0x0] =	vst.idx.msk $0xffff, v5  }
0xaa: {  	s4 =	simm.s32 @!p0 $0x5500;
	s3 =	sadd.s32 @!p0 s1, s3;
	[tilespmem:v12+s28+$0x0] =	vst.idx.msk $0xffff, v8  }
0xab: {  	[tilespmem:s4], [sflag:$0x6] =	stream.strided.gather @!p0 [hbm4b:s3+s10], $0x1000, s2, s10, $0x38;
	[tilespmem:$0x10500] =	vst v63  }
0xac: {  	_ =	swait.ge [sflag:s30], $0x1000  }
0xad: {  	(v2sf) =	vpush v4, $0x2;
	_ =	sdelay $0xa  }
0xae: {  	(v2sf) =	vpush @!p0 v4, $0x6;
	_ =	sdelay $0x3  }
0xaf: {  	s9 =	spop (v2sf)  }
0xb0: {  	s3 =	sand.u32 $0x7F, s9  }
0xb1: {  	v5 =	vor.u32 s3, v0  }
0xb2: {  	v62 =	vor.u32 s3, v1;
	_ =	sdelay $0x1  }
0xb3: {  	[sflag:s30] =	ssyncset.done $0x0  }
0xb4: {  	[sflag:s30] =	ssyncadd.s32 $0xFFFFF000  }
0xb5: {  	v5 =	vld.idx.msk [tilespmem:v5+s18+$0x0], $0xffff  }
0xb6: {  	v8 =	vld.idx.msk [tilespmem:v62+s18+$0x0], $0xffff;
	_ =	sdelay $0x2  }
0xb7: {  	s3 =	spop @!p0 (v2sf)  }
0xb8: {  	s3 =	sand.u32 @!p0 $0xFFFFF80, s3;
	[tilespmem:v13+s28+$0x0] =	vst.idx.msk $0xffff, v5  }
0xb9: {  	s4 =	simm.s32 @!p0 $0x6500;
	s3 =	sadd.s32 @!p0 s1, s3;
	[tilespmem:v14+s28+$0x0] =	vst.idx.msk $0xffff, v8  }
0xba: {  	[tilespmem:s4], [sflag:$0x7] =	stream.strided.gather @!p0 [hbm4b:s3+s10], $0x1000, s2, s10, $0x38;
	[tilespmem:$0x10500] =	vst v63  }
0xbb: {  	_ =	swait.ge [sflag:s31], $0x1000  }
0xbc: {  	(v2sf) =	vpush v4, $0x3;
	_ =	sdelay $0xe  }
0xbd: {  	s10 =	spop (v2sf)  }
0xbe: {  	s2 =	sand.u32 $0x7F, s10  }
0xbf: {  	v5 =	vor.u32 s2, v0  }
0xc0: {  	v63 =	vor.u32 s2, v1;
	_ =	sdelay $0x1  }
0xc1: {  	[sflag:s31] =	ssyncset.done $0x0  }
0xc2: {  	[sflag:s31] =	ssyncadd.s32 $0xFFFFF000  }
0xc3: {  	v5 =	vld.idx.msk [tilespmem:v5+s20+$0x0], $0xffff  }
0xc4: {  	v8 =	vld.idx.msk [tilespmem:v63+s20+$0x0], $0xffff  }
.Ltmp2:
0xc5: {  	_ = 	snop;
	(pc) =	sbr.rel @p0 .LBB2_4-.Ltmp2, $3  }
0xc6: {  	_ =	sdelay $0x1  }
0xc7: {  	[tilespmem:v6+s28+$0x0] =	vst.idx.msk $0xffff, v5  }
0xc8: {  	[tilespmem:v7+s28+$0x0] =	vst.idx.msk $0xffff, v8  }
0xc9: {  	(v2sf) =	vpush v4, $0x7;
	_ =	sdelay $0xd  }
.Ltmp3:
0xca: {  	_ = 	snop;
	(pc) =	sbr.rel .LBB2_2-.Ltmp3, $4  }
0xcb: {  	s2 =	spop (v2sf)  }
0xcc: {  	s8 =	sadd.s32 $0x1, s8;
	s7 =	sadd.s32 $0x4, s7;
	s2 =	sand.u32 $0xFFFFF80, s2  }
0xcd: {  	s5 =	sadd.s32 $0x4, s5;
	s6 =	sadd.s32 $0x4, s6;
	s2 =	sadd.s32 s1, s2  }
0xce: {  	[tilespmem:s20], [sflag:$0x8] =	stream.strided.gather [hbm4b:s2+s11], $0x1000, s12, s11, $0x38;
	[tilespmem:$0x10500] =	vst v63  }
.LBB2_5:
0xcf: {  	_ =	sfence.sel $0x180000  }
0xd0: {  	[bflag:$0x0] =	sbarrier.arrive $0xFFFF  }
0xd1: {  	_ =	strace $0x90000047  }
0xd2: {  	s0 =	stileid.u32;
	[bflag:$0x2] =	sbarrier.arrive $0xFFFF  }
0xd3: {  	p0 =	sne.s32 s0, $0x0;
	s0 =	rddreg [dreg:$0x6]  }
0xd4: {  	s0 =	sadd.s32 @!p0 $0x100000, s0  }
0xd5: {  	[sflag:s0] =	ssyncadd.tile.s32 @!p0 $0x1;
	_ =	shalt  }
.Lfunc_end2:
_tile_overlayer_lowered:
.L_overlay_start_2:
0xd6: {  	(tag) =	ssettag $0x2  }
0xd7: {  	s0 =	rddreg [dreg:$0x0];
	s2 =	stileid.u32  }
0xd8: {  	s1 =	rddreg [dreg:$0x1];
	p0 =	sne.s32 s2, $0x0  }
0xd9: {  	s3 =	rddreg [dreg:$0x2];
	[bflag:$0x3] =	sbarrier.arrive $0xFFFF;
	s2 =	simm.s32 @!p0 $0x1C09  }
0xda: {  	[timem:s3], [sflag:s2] =	dma.local @!p0 [hbm:s0], s1  }
0xdb: {  	s0 =	simm.s32 @!p0 $0x9  }
0xdc: {  	_ =	swait.ge @!p0 [sflag:s0], s1  }
0xdd: {  	s1 =	ssub.s32 @!p0 $0x0, s1;
	[sflag:s0] =	ssyncset.done @!p0 $0x0  }
0xde: {  	[sflag:s0] =	ssyncadd.s32 @!p0 s1  }
0xdf: {  	[bflag:$0x3] =	sbarrier.arrive $0xFFFF  }
0xe0: {  	_ =	shalt  }

</sc_bundles>
